<compile_context>
chip_gen: v7x
topology: tpu7x:2x2x1
jax: 0.10.2.dev20260603
libtpu: 0.0.44.dev20260713+nightly
codegen_flags: <defaults>
</compile_context>

<pallas_src>
import functools

import jax
import jax.numpy as jnp
from jax import lax
from jax.experimental import pallas as pl
from jax.experimental.pallas import tpu as pltpu
from jax.experimental.pallas import tpu_sc as plsc

D_MODEL = 64
SCALE = 8.0
LANES = 16

NUM_CORES = 2
NUM_SUBCORES = 16
NUM_WORKERS = NUM_CORES * NUM_SUBCORES

IDX_W = 128
SUBS = 2
CHUNK = IDX_W * SUBS
NBUF_G = 4
NBUF_W = 2


def _emb_body(x_hbm, table_hbm, out_hbm, idx_v, rows_v, wb_v, gsems, wsems,
              *, n_chunks, per_w):
  wid = lax.axis_index("s") * NUM_CORES + lax.axis_index("c")
  base = wid * per_w

  pltpu.sync_copy(x_hbm.at[pl.ds(base, per_w)], idx_v)

  def fire(g, b):
    for j in range(SUBS):
      pltpu.async_copy(
          table_hbm.at[idx_v.at[pl.ds(g * CHUNK + j * IDX_W, IDX_W)]],
          rows_v.at[b].at[pl.ds(j * IDX_W, IDX_W)], gsems[b])

  def wait_gathers(g, b):
    for j in range(SUBS):
      pltpu.make_async_copy(
          table_hbm.at[idx_v.at[pl.ds(g * CHUNK + j * IDX_W, IDX_W)]],
          rows_v.at[b].at[pl.ds(j * IDX_W, IDX_W)], gsems[b]).wait()

  def wb_descr(g, bw):
    return pltpu.make_async_copy(
        wb_v.at[bw], out_hbm.at[pl.ds(base + g * CHUNK, CHUNK)], wsems[bw])

  for b in range(NBUF_G):
    fire(b, b)

  @pl.loop(0, n_chunks, step=NBUF_G)
  def _(g):
    for k in range(NBUF_G):
      bg = k
      bw = k % NBUF_W
      gc = g + k
      wait_gathers(gc, bg)

      @pl.when(gc >= NBUF_W)
      def _():
        wb_descr(gc - NBUF_W, bw).wait()

      rv = rows_v.at[bg]
      wv = wb_v.at[bw]

      @plsc.parallel_loop(0, CHUNK, 1, unroll=8)
      def _(r):
        for l in range(D_MODEL // LANES):
          sl = pl.ds(l * LANES, LANES)
          wv[r, sl] = rv[r, sl] * SCALE

      pltpu.async_copy(wb_v.at[bw],
                       out_hbm.at[pl.ds(base + gc * CHUNK, CHUNK)], wsems[bw])

      @pl.when(gc + NBUF_G < n_chunks)
      def _():
        fire(gc + NBUF_G, bg)

  for gl in range(n_chunks - NBUF_W, n_chunks):
    wb_descr(gl, gl % NBUF_W).wait()


def kernel(x, table):
  b0, b1 = x.shape
  b = b0 * b1
  assert b % (NUM_WORKERS * CHUNK * NBUF_G) == 0
  per_w = b // NUM_WORKERS
  n_chunks = per_w // CHUNK

  mesh = plsc.VectorSubcoreMesh(core_axis_name="c", subcore_axis_name="s")
  emb = pl.kernel(
      functools.partial(_emb_body, n_chunks=n_chunks, per_w=per_w),
      out_type=jax.ShapeDtypeStruct((b, D_MODEL), jnp.float32),
      mesh=mesh,
      compiler_params=pltpu.CompilerParams(use_tc_tiling_on_sc=False),
      scratch_types=[
          pltpu.VMEM((per_w,), jnp.int32),
          pltpu.VMEM((NBUF_G, CHUNK, D_MODEL), jnp.float32),
          pltpu.VMEM((NBUF_W, CHUNK, D_MODEL), jnp.float32),
          [pltpu.SemaphoreType.DMA for _ in range(NBUF_G)],
          [pltpu.SemaphoreType.DMA for _ in range(NBUF_W)],
      ],
  )
  xf = x.reshape(b)
  return emb(xf, table).reshape(b0, b1, D_MODEL)

# --- scband reference (transcript-rebuilt; emitter-appended) ---
"""Pipeline reference for scband-embedding-13039520711354 (READ-ONLY COPY).

The authoritative reference and input builder live on the scoring server;
editing this copy changes nothing except your own understanding.
"""

import jax, jax.numpy as jnp
import numpy as np
import math

D_MODEL = 64
VOCAB = 1000000

def setup_inputs(seed: int = 0) -> dict:
    key = jax.random.key(seed)
    k1, k2 = jax.random.split(key)
    x = jax.random.randint(k1, (16384, 50), 0, VOCAB, dtype=jnp.int64) if jax.config.jax_enable_x64 else jax.random.randint(k1, (16384, 50), 0, VOCAB, dtype=jnp.int32)
    table = jax.random.normal(k2, (VOCAB, D_MODEL), dtype=jnp.float32)
    return {"x": x, "table": table}

def reference(x, table):
    # nn.Embedding lookup followed by scaling by sqrt(d_model)
    emb = jnp.take(table, x, axis=0)
    return emb * math.sqrt(D_MODEL)

if __name__ == "__main__":
    import jax
    _d = setup_inputs()
    print(jax.jit(kernel)(*tuple(_d.values())))

</pallas_src>

<mosaic_0001>
#map = affine_map<(d0, d1) -> (0)>
#map1 = affine_map<(d0, d1) -> (0, 0)>
module attributes {stable_mosaic.version = 14 : i64} {
  func.func @_emb_body(%arg0: i32, %arg1: i32, %arg2: memref<819200xi32, #tpu.memory_space<hbm>>, %arg3: memref<1000000x64xf32, #tpu.memory_space<hbm>>, %arg4: memref<819200x64xf32, #tpu.memory_space<hbm>>, %arg5: memref<25600xi32, #tpu.memory_space<vmem>>, %arg6: memref<4x256x64xf32, #tpu.memory_space<vmem>>, %arg7: memref<2x256x64xf32, #tpu.memory_space<vmem>>, %arg8: memref<!tpu.dma_semaphore, #tpu.memory_space<semaphore_mem>>, %arg9: memref<!tpu.dma_semaphore, #tpu.memory_space<semaphore_mem>>, %arg10: memref<!tpu.dma_semaphore, #tpu.memory_space<semaphore_mem>>, %arg11: memref<!tpu.dma_semaphore, #tpu.memory_space<semaphore_mem>>, %arg12: memref<!tpu.dma_semaphore, #tpu.memory_space<semaphore_mem>>, %arg13: memref<!tpu.dma_semaphore, #tpu.memory_space<semaphore_mem>>) attributes {dimension_semantics = [#tpu.dimension_semantics<core_parallel>, #tpu.dimension_semantics<subcore_parallel>], iteration_bounds = array<i64: 2, 16>, scalar_prefetch = 0 : i64, scratch_operands = 9 : i64, tpu.core_type = #tpu.core_type<sc_vector_subcore>, window_params = [{transform_indices = #map}, {transform_indices = #map1}, {transform_indices = #map1}]} {
    %mul3A = arith.constant 2 : i32
    %mul3A_0 = arith.muli %arg1, %mul3A : i32
    %add3A = arith.addi %mul3A_0, %arg0 : i32
    %mul3A_1 = arith.constant 25600 : i32
    %mul3A_2 = arith.muli %add3A, %mul3A_1 : i32
    "tpu.region"() ({
      %run_scoped3A = tpu.sem_alloc : memref<!tpu.dma_semaphore, #tpu.memory_space<semaphore_mem>>
      %dma_start3A_139 = tpu.memref_slice %arg2[%mul3A_2] : memref<819200xi32, #tpu.memory_space<hbm>> -> memref<25600xi32, #tpu.memory_space<hbm>>
      %dma_start3A_140 = tpu.memref_slice %arg2[%mul3A_2] : memref<819200xi32, #tpu.memory_space<hbm>> -> memref<25600xi32, #tpu.memory_space<hbm>>
      tpu.enqueue_dma source(%dma_start3A_140 : memref<25600xi32, #tpu.memory_space<hbm>>) target(%arg5 : memref<25600xi32, #tpu.memory_space<vmem>>) target_semaphore(%run_scoped3A : memref<!tpu.dma_semaphore, #tpu.memory_space<semaphore_mem>>)
      %dma_wait3A_141 = tpu.memref_slice %arg2[%mul3A_2] : memref<819200xi32, #tpu.memory_space<hbm>> -> memref<25600xi32, #tpu.memory_space<hbm>>
      %dma_wait3A_142 = tpu.memref_slice %arg2[%mul3A_2] : memref<819200xi32, #tpu.memory_space<hbm>> -> memref<25600xi32, #tpu.memory_space<hbm>>
      tpu.wait_dma2 semaphore(%run_scoped3A : memref<!tpu.dma_semaphore, #tpu.memory_space<semaphore_mem>>) src(%dma_wait3A_142 : memref<25600xi32, #tpu.memory_space<hbm>>) dst(%arg5 : memref<25600xi32, #tpu.memory_space<vmem>>)
      tpu.yield
    }) : () -> ()
    %dma_start3A = arith.constant 0 : i32
    %dma_start3A_3 = arith.constant 0 : i32
    %dma_start3A_4 = arith.constant 0 : i32
    %dma_start3A_5 = tpu.memref_slice %arg6[%dma_start3A, %dma_start3A_3, %dma_start3A_4] : memref<4x256x64xf32, #tpu.memory_space<vmem>> -> memref<1x256x64xf32, #tpu.memory_space<vmem>>
    %dma_start3A_6 = tpu.memref_squeeze %dma_start3A_5 : memref<1x256x64xf32, #tpu.memory_space<vmem>> -> memref<256x64xf32, #tpu.memory_space<vmem>>
    %dma_start3A_7 = arith.constant 0 : i32
    %dma_start3A_8 = arith.constant 0 : i32
    %dma_start3A_9 = tpu.memref_slice %dma_start3A_6[%dma_start3A_7, %dma_start3A_8] : memref<256x64xf32, #tpu.memory_space<vmem>> -> memref<128x64xf32, #tpu.memory_space<vmem>>
    %dma_start3A_10 = arith.constant 0 : i32
    %dma_start3A_11 = tpu.memref_slice %arg5[%dma_start3A_10] : memref<25600xi32, #tpu.memory_space<vmem>> -> memref<128xi32, #tpu.memory_space<vmem>>
    %dma_start3A_12 = arith.constant 0 : i32
    %dma_start3A_13 = arith.constant 0 : i32
    %dma_start3A_14 = tpu.memref_slice %arg3[%dma_start3A_12, %dma_start3A_13] : memref<1000000x64xf32, #tpu.memory_space<hbm>> -> memref<1000000x64xf32, #tpu.memory_space<hbm>>
    tpu.enqueue_indirect_dma source(%dma_start3A_14 : memref<1000000x64xf32, #tpu.memory_space<hbm>>) target(%dma_start3A_9 : memref<128x64xf32, #tpu.memory_space<vmem>>) offsets(%dma_start3A_11 : memref<128xi32, #tpu.memory_space<vmem>>) semaphore(%arg8 : memref<!tpu.dma_semaphore, #tpu.memory_space<semaphore_mem>>)
    %dma_start3A_15 = arith.constant 0 : i32
    %dma_start3A_16 = arith.constant 0 : i32
    %dma_start3A_17 = arith.constant 0 : i32
    %dma_start3A_18 = tpu.memref_slice %arg6[%dma_start3A_15, %dma_start3A_16, %dma_start3A_17] : memref<4x256x64xf32, #tpu.memory_space<vmem>> -> memref<1x256x64xf32, #tpu.memory_space<vmem>>
    %dma_start3A_19 = tpu.memref_squeeze %dma_start3A_18 : memref<1x256x64xf32, #tpu.memory_space<vmem>> -> memref<256x64xf32, #tpu.memory_space<vmem>>
    %dma_start3A_20 = arith.constant 128 : i32
    %dma_start3A_21 = arith.constant 0 : i32
    %dma_start3A_22 = tpu.memref_slice %dma_start3A_19[%dma_start3A_20, %dma_start3A_21] : memref<256x64xf32, #tpu.memory_space<vmem>> -> memref<128x64xf32, #tpu.memory_space<vmem>>
    %dma_start3A_23 = arith.constant 128 : i32
    %dma_start3A_24 = tpu.memref_slice %arg5[%dma_start3A_23] : memref<25600xi32, #tpu.memory_space<vmem>> -> memref<128xi32, #tpu.memory_space<vmem>>
    %dma_start3A_25 = arith.constant 0 : i32
    %dma_start3A_26 = arith.constant 0 : i32
    %dma_start3A_27 = tpu.memref_slice %arg3[%dma_start3A_25, %dma_start3A_26] : memref<1000000x64xf32, #tpu.memory_space<hbm>> -> memref<1000000x64xf32, #tpu.memory_space<hbm>>
    tpu.enqueue_indirect_dma source(%dma_start3A_27 : memref<1000000x64xf32, #tpu.memory_space<hbm>>) target(%dma_start3A_22 : memref<128x64xf32, #tpu.memory_space<vmem>>) offsets(%dma_start3A_24 : memref<128xi32, #tpu.memory_space<vmem>>) semaphore(%arg8 : memref<!tpu.dma_semaphore, #tpu.memory_space<semaphore_mem>>)
    %dma_start3A_28 = arith.constant 1 : i32
    %dma_start3A_29 = arith.constant 0 : i32
    %dma_start3A_30 = arith.constant 0 : i32
    %dma_start3A_31 = tpu.memref_slice %arg6[%dma_start3A_28, %dma_start3A_29, %dma_start3A_30] : memref<4x256x64xf32, #tpu.memory_space<vmem>> -> memref<1x256x64xf32, #tpu.memory_space<vmem>>
    %dma_start3A_32 = tpu.memref_squeeze %dma_start3A_31 : memref<1x256x64xf32, #tpu.memory_space<vmem>> -> memref<256x64xf32, #tpu.memory_space<vmem>>
    %dma_start3A_33 = arith.constant 0 : i32
    %dma_start3A_34 = arith.constant 0 : i32
    %dma_start3A_35 = tpu.memref_slice %dma_start3A_32[%dma_start3A_33, %dma_start3A_34] : memref<256x64xf32, #tpu.memory_space<vmem>> -> memref<128x64xf32, #tpu.memory_space<vmem>>
    %dma_start3A_36 = arith.constant 256 : i32
    %dma_start3A_37 = tpu.memref_slice %arg5[%dma_start3A_36] : memref<25600xi32, #tpu.memory_space<vmem>> -> memref<128xi32, #tpu.memory_space<vmem>>
    %dma_start3A_38 = arith.constant 0 : i32
    %dma_start3A_39 = arith.constant 0 : i32
    %dma_start3A_40 = tpu.memref_slice %arg3[%dma_start3A_38, %dma_start3A_39] : memref<1000000x64xf32, #tpu.memory_space<hbm>> -> memref<1000000x64xf32, #tpu.memory_space<hbm>>
    tpu.enqueue_indirect_dma source(%dma_start3A_40 : memref<1000000x64xf32, #tpu.memory_space<hbm>>) target(%dma_start3A_35 : memref<128x64xf32, #tpu.memory_space<vmem>>) offsets(%dma_start3A_37 : memref<128xi32, #tpu.memory_space<vmem>>) semaphore(%arg9 : memref<!tpu.dma_semaphore, #tpu.memory_space<semaphore_mem>>)
    %dma_start3A_41 = arith.constant 1 : i32
    %dma_start3A_42 = arith.constant 0 : i32
    %dma_start3A_43 = arith.constant 0 : i32
    %dma_start3A_44 = tpu.memref_slice %arg6[%dma_start3A_41, %dma_start3A_42, %dma_start3A_43] : memref<4x256x64xf32, #tpu.memory_space<vmem>> -> memref<1x256x64xf32, #tpu.memory_space<vmem>>
    %dma_start3A_45 = tpu.memref_squeeze %dma_start3A_44 : memref<1x256x64xf32, #tpu.memory_space<vmem>> -> memref<256x64xf32, #tpu.memory_space<vmem>>
    %dma_start3A_46 = arith.constant 128 : i32
    %dma_start3A_47 = arith.constant 0 : i32
    %dma_start3A_48 = tpu.memref_slice %dma_start3A_45[%dma_start3A_46, %dma_start3A_47] : memref<256x64xf32, #tpu.memory_space<vmem>> -> memref<128x64xf32, #tpu.memory_space<vmem>>
    %dma_start3A_49 = arith.constant 384 : i32
    %dma_start3A_50 = tpu.memref_slice %arg5[%dma_start3A_49] : memref<25600xi32, #tpu.memory_space<vmem>> -> memref<128xi32, #tpu.memory_space<vmem>>
    %dma_start3A_51 = arith.constant 0 : i32
    %dma_start3A_52 = arith.constant 0 : i32
    %dma_start3A_53 = tpu.memref_slice %arg3[%dma_start3A_51, %dma_start3A_52] : memref<1000000x64xf32, #tpu.memory_space<hbm>> -> memref<1000000x64xf32, #tpu.memory_space<hbm>>
    tpu.enqueue_indirect_dma source(%dma_start3A_53 : memref<1000000x64xf32, #tpu.memory_space<hbm>>) target(%dma_start3A_48 : memref<128x64xf32, #tpu.memory_space<vmem>>) offsets(%dma_start3A_50 : memref<128xi32, #tpu.memory_space<vmem>>) semaphore(%arg9 : memref<!tpu.dma_semaphore, #tpu.memory_space<semaphore_mem>>)
    %dma_start3A_54 = arith.constant 2 : i32
    %dma_start3A_55 = arith.constant 0 : i32
    %dma_start3A_56 = arith.constant 0 : i32
    %dma_start3A_57 = tpu.memref_slice %arg6[%dma_start3A_54, %dma_start3A_55, %dma_start3A_56] : memref<4x256x64xf32, #tpu.memory_space<vmem>> -> memref<1x256x64xf32, #tpu.memory_space<vmem>>
    %dma_start3A_58 = tpu.memref_squeeze %dma_start3A_57 : memref<1x256x64xf32, #tpu.memory_space<vmem>> -> memref<256x64xf32, #tpu.memory_space<vmem>>
    %dma_start3A_59 = arith.constant 0 : i32
    %dma_start3A_60 = arith.constant 0 : i32
    %dma_start3A_61 = tpu.memref_slice %dma_start3A_58[%dma_start3A_59, %dma_start3A_60] : memref<256x64xf32, #tpu.memory_space<vmem>> -> memref<128x64xf32, #tpu.memory_space<vmem>>
    %dma_start3A_62 = arith.constant 512 : i32
    %dma_start3A_63 = tpu.memref_slice %arg5[%dma_start3A_62] : memref<25600xi32, #tpu.memory_space<vmem>> -> memref<128xi32, #tpu.memory_space<vmem>>
    %dma_start3A_64 = arith.constant 0 : i32
    %dma_start3A_65 = arith.constant 0 : i32
    %dma_start3A_66 = tpu.memref_slice %arg3[%dma_start3A_64, %dma_start3A_65] : memref<1000000x64xf32, #tpu.memory_space<hbm>> -> memref<1000000x64xf32, #tpu.memory_space<hbm>>
    tpu.enqueue_indirect_dma source(%dma_start3A_66 : memref<1000000x64xf32, #tpu.memory_space<hbm>>) target(%dma_start3A_61 : memref<128x64xf32, #tpu.memory_space<vmem>>) offsets(%dma_start3A_63 : memref<128xi32, #tpu.memory_space<vmem>>) semaphore(%arg10 : memref<!tpu.dma_semaphore, #tpu.memory_space<semaphore_mem>>)
    %dma_start3A_67 = arith.constant 2 : i32
    %dma_start3A_68 = arith.constant 0 : i32
    %dma_start3A_69 = arith.constant 0 : i32
    %dma_start3A_70 = tpu.memref_slice %arg6[%dma_start3A_67, %dma_start3A_68, %dma_start3A_69] : memref<4x256x64xf32, #tpu.memory_space<vmem>> -> memref<1x256x64xf32, #tpu.memory_space<vmem>>
    %dma_start3A_71 = tpu.memref_squeeze %dma_start3A_70 : memref<1x256x64xf32, #tpu.memory_space<vmem>> -> memref<256x64xf32, #tpu.memory_space<vmem>>
    %dma_start3A_72 = arith.constant 128 : i32
    %dma_start3A_73 = arith.constant 0 : i32
    %dma_start3A_74 = tpu.memref_slice %dma_start3A_71[%dma_start3A_72, %dma_start3A_73] : memref<256x64xf32, #tpu.memory_space<vmem>> -> memref<128x64xf32, #tpu.memory_space<vmem>>
    %dma_start3A_75 = arith.constant 640 : i32
    %dma_start3A_76 = tpu.memref_slice %arg5[%dma_start3A_75] : memref<25600xi32, #tpu.memory_space<vmem>> -> memref<128xi32, #tpu.memory_space<vmem>>
    %dma_start3A_77 = arith.constant 0 : i32
    %dma_start3A_78 = arith.constant 0 : i32
    %dma_start3A_79 = tpu.memref_slice %arg3[%dma_start3A_77, %dma_start3A_78] : memref<1000000x64xf32, #tpu.memory_space<hbm>> -> memref<1000000x64xf32, #tpu.memory_space<hbm>>
    tpu.enqueue_indirect_dma source(%dma_start3A_79 : memref<1000000x64xf32, #tpu.memory_space<hbm>>) target(%dma_start3A_74 : memref<128x64xf32, #tpu.memory_space<vmem>>) offsets(%dma_start3A_76 : memref<128xi32, #tpu.memory_space<vmem>>) semaphore(%arg10 : memref<!tpu.dma_semaphore, #tpu.memory_space<semaphore_mem>>)
    %dma_start3A_80 = arith.constant 3 : i32
    %dma_start3A_81 = arith.constant 0 : i32
    %dma_start3A_82 = arith.constant 0 : i32
    %dma_start3A_83 = tpu.memref_slice %arg6[%dma_start3A_80, %dma_start3A_81, %dma_start3A_82] : memref<4x256x64xf32, #tpu.memory_space<vmem>> -> memref<1x256x64xf32, #tpu.memory_space<vmem>>
    %dma_start3A_84 = tpu.memref_squeeze %dma_start3A_83 : memref<1x256x64xf32, #tpu.memory_space<vmem>> -> memref<256x64xf32, #tpu.memory_space<vmem>>
    %dma_start3A_85 = arith.constant 0 : i32
    %dma_start3A_86 = arith.constant 0 : i32
    %dma_start3A_87 = tpu.memref_slice %dma_start3A_84[%dma_start3A_85, %dma_start3A_86] : memref<256x64xf32, #tpu.memory_space<vmem>> -> memref<128x64xf32, #tpu.memory_space<vmem>>
    %dma_start3A_88 = arith.constant 768 : i32
    %dma_start3A_89 = tpu.memref_slice %arg5[%dma_start3A_88] : memref<25600xi32, #tpu.memory_space<vmem>> -> memref<128xi32, #tpu.memory_space<vmem>>
    %dma_start3A_90 = arith.constant 0 : i32
    %dma_start3A_91 = arith.constant 0 : i32
    %dma_start3A_92 = tpu.memref_slice %arg3[%dma_start3A_90, %dma_start3A_91] : memref<1000000x64xf32, #tpu.memory_space<hbm>> -> memref<1000000x64xf32, #tpu.memory_space<hbm>>
    tpu.enqueue_indirect_dma source(%dma_start3A_92 : memref<1000000x64xf32, #tpu.memory_space<hbm>>) target(%dma_start3A_87 : memref<128x64xf32, #tpu.memory_space<vmem>>) offsets(%dma_start3A_89 : memref<128xi32, #tpu.memory_space<vmem>>) semaphore(%arg11 : memref<!tpu.dma_semaphore, #tpu.memory_space<semaphore_mem>>)
    %dma_start3A_93 = arith.constant 3 : i32
    %dma_start3A_94 = arith.constant 0 : i32
    %dma_start3A_95 = arith.constant 0 : i32
    %dma_start3A_96 = tpu.memref_slice %arg6[%dma_start3A_93, %dma_start3A_94, %dma_start3A_95] : memref<4x256x64xf32, #tpu.memory_space<vmem>> -> memref<1x256x64xf32, #tpu.memory_space<vmem>>
    %dma_start3A_97 = tpu.memref_squeeze %dma_start3A_96 : memref<1x256x64xf32, #tpu.memory_space<vmem>> -> memref<256x64xf32, #tpu.memory_space<vmem>>
    %dma_start3A_98 = arith.constant 128 : i32
    %dma_start3A_99 = arith.constant 0 : i32
    %dma_start3A_100 = tpu.memref_slice %dma_start3A_97[%dma_start3A_98, %dma_start3A_99] : memref<256x64xf32, #tpu.memory_space<vmem>> -> memref<128x64xf32, #tpu.memory_space<vmem>>
    %dma_start3A_101 = arith.constant 896 : i32
    %dma_start3A_102 = tpu.memref_slice %arg5[%dma_start3A_101] : memref<25600xi32, #tpu.memory_space<vmem>> -> memref<128xi32, #tpu.memory_space<vmem>>
    %dma_start3A_103 = arith.constant 0 : i32
    %dma_start3A_104 = arith.constant 0 : i32
    %dma_start3A_105 = tpu.memref_slice %arg3[%dma_start3A_103, %dma_start3A_104] : memref<1000000x64xf32, #tpu.memory_space<hbm>> -> memref<1000000x64xf32, #tpu.memory_space<hbm>>
    tpu.enqueue_indirect_dma source(%dma_start3A_105 : memref<1000000x64xf32, #tpu.memory_space<hbm>>) target(%dma_start3A_100 : memref<128x64xf32, #tpu.memory_space<vmem>>) offsets(%dma_start3A_102 : memref<128xi32, #tpu.memory_space<vmem>>) semaphore(%arg11 : memref<!tpu.dma_semaphore, #tpu.memory_space<semaphore_mem>>)
    %scan3A = arith.constant 0 : i32
    %scan3A_106 = arith.constant 25 : i32
    %scan3A_107 = arith.addi %scan3A, %scan3A_106 : i32
    %scan3A_108 = arith.constant 1 : i32
    scf.for %scan3A_139 = %scan3A to %scan3A_107 step %scan3A_108  : i32 {
      %mul3A_140 = arith.constant 4 : i32
      %mul3A_141 = arith.muli %scan3A_139, %mul3A_140 : i32
      %add3A_142 = arith.constant 0 : i32
      %add3A_143 = arith.addi %add3A_142, %mul3A_141 : i32
      %add3A_144 = arith.constant 0 : i32
      %add3A_145 = arith.addi %add3A_143, %add3A_144 : i32
      %mul3A_146 = arith.constant 256 : i32
      %mul3A_147 = arith.muli %add3A_145, %mul3A_146 : i32
      %add3A_148 = arith.constant 0 : i32
      %add3A_149 = arith.addi %mul3A_147, %add3A_148 : i32
      %dma_wait3A_150 = arith.constant 0 : i32
      %dma_wait3A_151 = arith.constant 0 : i32
      %dma_wait3A_152 = arith.constant 0 : i32
      %dma_wait3A_153 = tpu.memref_slice %arg6[%dma_wait3A_150, %dma_wait3A_151, %dma_wait3A_152] : memref<4x256x64xf32, #tpu.memory_space<vmem>> -> memref<1x256x64xf32, #tpu.memory_space<vmem>>
      %dma_wait3A_154 = tpu.memref_squeeze %dma_wait3A_153 : memref<1x256x64xf32, #tpu.memory_space<vmem>> -> memref<256x64xf32, #tpu.memory_space<vmem>>
      %dma_wait3A_155 = arith.constant 0 : i32
      %dma_wait3A_156 = arith.constant 0 : i32
      %dma_wait3A_157 = tpu.memref_slice %dma_wait3A_154[%dma_wait3A_155, %dma_wait3A_156] : memref<256x64xf32, #tpu.memory_space<vmem>> -> memref<128x64xf32, #tpu.memory_space<vmem>>
      %dma_wait3A_158 = tpu.memref_slice %arg5[%add3A_149] : memref<25600xi32, #tpu.memory_space<vmem>> -> memref<128xi32, #tpu.memory_space<vmem>>
      %dma_wait3A_159 = arith.constant 0 : i32
      %dma_wait3A_160 = arith.constant 0 : i32
      %dma_wait3A_161 = tpu.memref_slice %arg3[%dma_wait3A_159, %dma_wait3A_160] : memref<1000000x64xf32, #tpu.memory_space<hbm>> -> memref<1000000x64xf32, #tpu.memory_space<hbm>>
      tpu.wait_indirect_dma semaphore(%arg8 : memref<!tpu.dma_semaphore, #tpu.memory_space<semaphore_mem>>) src(%dma_wait3A_161 : memref<1000000x64xf32, #tpu.memory_space<hbm>>) dst(%dma_wait3A_157 : memref<128x64xf32, #tpu.memory_space<vmem>>)
      %mul3A_162 = arith.constant 256 : i32
      %mul3A_163 = arith.muli %add3A_145, %mul3A_162 : i32
      %add3A_164 = arith.constant 128 : i32
      %add3A_165 = arith.addi %mul3A_163, %add3A_164 : i32
      %dma_wait3A_166 = arith.constant 0 : i32
      %dma_wait3A_167 = arith.constant 0 : i32
      %dma_wait3A_168 = arith.constant 0 : i32
      %dma_wait3A_169 = tpu.memref_slice %arg6[%dma_wait3A_166, %dma_wait3A_167, %dma_wait3A_168] : memref<4x256x64xf32, #tpu.memory_space<vmem>> -> memref<1x256x64xf32, #tpu.memory_space<vmem>>
      %dma_wait3A_170 = tpu.memref_squeeze %dma_wait3A_169 : memref<1x256x64xf32, #tpu.memory_space<vmem>> -> memref<256x64xf32, #tpu.memory_space<vmem>>
      %dma_wait3A_171 = arith.constant 128 : i32
      %dma_wait3A_172 = arith.constant 0 : i32
      %dma_wait3A_173 = tpu.memref_slice %dma_wait3A_170[%dma_wait3A_171, %dma_wait3A_172] : memref<256x64xf32, #tpu.memory_space<vmem>> -> memref<128x64xf32, #tpu.memory_space<vmem>>
      %dma_wait3A_174 = tpu.memref_slice %arg5[%add3A_165] : memref<25600xi32, #tpu.memory_space<vmem>> -> memref<128xi32, #tpu.memory_space<vmem>>
      %dma_wait3A_175 = arith.constant 0 : i32
      %dma_wait3A_176 = arith.constant 0 : i32
      %dma_wait3A_177 = tpu.memref_slice %arg3[%dma_wait3A_175, %dma_wait3A_176] : memref<1000000x64xf32, #tpu.memory_space<hbm>> -> memref<1000000x64xf32, #tpu.memory_space<hbm>>
      tpu.wait_indirect_dma semaphore(%arg8 : memref<!tpu.dma_semaphore, #tpu.memory_space<semaphore_mem>>) src(%dma_wait3A_177 : memref<1000000x64xf32, #tpu.memory_space<hbm>>) dst(%dma_wait3A_173 : memref<128x64xf32, #tpu.memory_space<vmem>>)
      %ge3A = arith.constant 2 : i32
      %ge3A_178 = arith.cmpi sge, %add3A_145, %ge3A : i32
      %convert_element_type3A = arith.extui %ge3A_178 : i1 to i32
      %cond3A = arith.constant 0 : i32
      %cond3A_179 = arith.cmpi ne, %convert_element_type3A, %cond3A : i32
      scf.if %cond3A_179 {
        %sub3A = arith.constant 2 : i32
        %sub3A_407 = arith.subi %add3A_145, %sub3A : i32
        %mul3A_408 = arith.constant 256 : i32
        %mul3A_409 = arith.muli %sub3A_407, %mul3A_408 : i32
        %add3A_410 = arith.addi %mul3A_2, %mul3A_409 : i32
        %dma_wait3A_411 = arith.constant 0 : i32
        %dma_wait3A_412 = arith.constant 0 : i32
        %dma_wait3A_413 = arith.constant 0 : i32
        %dma_wait3A_414 = tpu.memref_slice %arg7[%dma_wait3A_411, %dma_wait3A_412, %dma_wait3A_413] : memref<2x256x64xf32, #tpu.memory_space<vmem>> -> memref<1x256x64xf32, #tpu.memory_space<vmem>>
        %dma_wait3A_415 = tpu.memref_squeeze %dma_wait3A_414 : memref<1x256x64xf32, #tpu.memory_space<vmem>> -> memref<256x64xf32, #tpu.memory_space<vmem>>
        %dma_wait3A_416 = arith.constant 0 : i32
        %dma_wait3A_417 = tpu.memref_slice %arg4[%add3A_410, %dma_wait3A_416] : memref<819200x64xf32, #tpu.memory_space<hbm>> -> memref<256x64xf32, #tpu.memory_space<hbm>>
        %dma_wait3A_418 = arith.constant 0 : i32
        %dma_wait3A_419 = tpu.memref_slice %arg4[%add3A_410, %dma_wait3A_418] : memref<819200x64xf32, #tpu.memory_space<hbm>> -> memref<256x64xf32, #tpu.memory_space<hbm>>
        %dma_wait3A_420 = arith.constant 0 : i32
        %dma_wait3A_421 = arith.constant 0 : i32
        %dma_wait3A_422 = tpu.memref_slice %arg7[%dma_wait3A_411, %dma_wait3A_420, %dma_wait3A_421] : memref<2x256x64xf32, #tpu.memory_space<vmem>> -> memref<1x256x64xf32, #tpu.memory_space<vmem>>
        %dma_wait3A_423 = tpu.memref_squeeze %dma_wait3A_422 : memref<1x256x64xf32, #tpu.memory_space<vmem>> -> memref<256x64xf32, #tpu.memory_space<vmem>>
        tpu.wait_dma2 semaphore(%arg12 : memref<!tpu.dma_semaphore, #tpu.memory_space<semaphore_mem>>) src(%dma_wait3A_423 : memref<256x64xf32, #tpu.memory_space<vmem>>) dst(%dma_wait3A_419 : memref<256x64xf32, #tpu.memory_space<hbm>>)
      } else {
      }
      %parallel_loop3A = arith.constant 0 : i32
      %parallel_loop3A_180 = arith.constant 256 : i32
      %parallel_loop3A_181 = arith.constant 1 : i32
      %parallel_loop3A_182 = arith.constant 0 : i32
      %parallel_loop3A_183 = arith.constant 0 : i32
      scf.for %parallel_loop3A_407 = %parallel_loop3A to %parallel_loop3A_180 step %parallel_loop3A_181  : i32 {
        %parallel_loop3A_408 = arith.constant 0 : i32
        %parallel_loop3A_409 = arith.constant 0 : i32
        %parallel_loop3A_410 = tpu.memref_slice %arg6[%parallel_loop3A_182, %parallel_loop3A_408, %parallel_loop3A_409] : memref<4x256x64xf32, #tpu.memory_space<vmem>> -> memref<1x256x64xf32, #tpu.memory_space<vmem>>
        %parallel_loop3A_411 = tpu.memref_squeeze %parallel_loop3A_410 : memref<1x256x64xf32, #tpu.memory_space<vmem>> -> memref<256x64xf32, #tpu.memory_space<vmem>>
        %parallel_loop3A_412 = arith.index_cast %parallel_loop3A_407 : i32 to index
        %parallel_loop3A_413 = arith.constant 0 : index
        %parallel_loop3A_414 = tpu.vector_load %parallel_loop3A_411[%parallel_loop3A_412, %parallel_loop3A_413] {strides = array<i32>} : memref<256x64xf32, #tpu.memory_space<vmem>>, vector<1x16xf32>,
        %parallel_loop3A_415 = vector.shape_cast %parallel_loop3A_414 : vector<1x16xf32> to vector<16xf32>
        %parallel_loop3A_416 = arith.constant 8.000000e+00 : f32
        %parallel_loop3A_417 = vector.broadcast %parallel_loop3A_416 : f32 to vector<16xf32>
        %parallel_loop3A_418 = arith.mulf %parallel_loop3A_415, %parallel_loop3A_417 : vector<16xf32>
        %parallel_loop3A_419 = arith.constant 0 : i32
        %parallel_loop3A_420 = arith.constant 0 : i32
        %parallel_loop3A_421 = tpu.memref_slice %arg7[%parallel_loop3A_183, %parallel_loop3A_419, %parallel_loop3A_420] : memref<2x256x64xf32, #tpu.memory_space<vmem>> -> memref<1x256x64xf32, #tpu.memory_space<vmem>>
        %parallel_loop3A_422 = tpu.memref_squeeze %parallel_loop3A_421 : memref<1x256x64xf32, #tpu.memory_space<vmem>> -> memref<256x64xf32, #tpu.memory_space<vmem>>
        %parallel_loop3A_423 = arith.index_cast %parallel_loop3A_407 : i32 to index
        %parallel_loop3A_424 = arith.constant 0 : index
        %parallel_loop3A_425 = tpu.vector_load %parallel_loop3A_422[%parallel_loop3A_423, %parallel_loop3A_424] {strides = array<i32>} : memref<256x64xf32, #tpu.memory_space<vmem>>, vector<1x16xf32>,
        %parallel_loop3A_426 = vector.shape_cast %parallel_loop3A_425 : vector<1x16xf32> to vector<16xf32>
        %parallel_loop3A_427 = vector.shape_cast %parallel_loop3A_418 : vector<16xf32> to vector<1x16xf32>
        tpu.vector_store %parallel_loop3A_422[%parallel_loop3A_423, %parallel_loop3A_424], %parallel_loop3A_427 {strides = array<i32>} : memref<256x64xf32, #tpu.memory_space<vmem>>, vector<1x16xf32>,
        %parallel_loop3A_428 = arith.constant 0 : i32
        %parallel_loop3A_429 = arith.constant 0 : i32
        %parallel_loop3A_430 = tpu.memref_slice %arg6[%parallel_loop3A_182, %parallel_loop3A_428, %parallel_loop3A_429] : memref<4x256x64xf32, #tpu.memory_space<vmem>> -> memref<1x256x64xf32, #tpu.memory_space<vmem>>
        %parallel_loop3A_431 = tpu.memref_squeeze %parallel_loop3A_430 : memref<1x256x64xf32, #tpu.memory_space<vmem>> -> memref<256x64xf32, #tpu.memory_space<vmem>>
        %parallel_loop3A_432 = arith.index_cast %parallel_loop3A_407 : i32 to index
        %parallel_loop3A_433 = arith.constant 16 : index
        %parallel_loop3A_434 = tpu.vector_load %parallel_loop3A_431[%parallel_loop3A_432, %parallel_loop3A_433] {strides = array<i32>} : memref<256x64xf32, #tpu.memory_space<vmem>>, vector<1x16xf32>,
        %parallel_loop3A_435 = vector.shape_cast %parallel_loop3A_434 : vector<1x16xf32> to vector<16xf32>
        %parallel_loop3A_436 = arith.constant 8.000000e+00 : f32
        %parallel_loop3A_437 = vector.broadcast %parallel_loop3A_436 : f32 to vector<16xf32>
        %parallel_loop3A_438 = arith.mulf %parallel_loop3A_435, %parallel_loop3A_437 : vector<16xf32>
        %parallel_loop3A_439 = arith.constant 0 : i32
        %parallel_loop3A_440 = arith.constant 0 : i32
        %parallel_loop3A_441 = tpu.memref_slice %arg7[%parallel_loop3A_183, %parallel_loop3A_439, %parallel_loop3A_440] : memref<2x256x64xf32, #tpu.memory_space<vmem>> -> memref<1x256x64xf32, #tpu.memory_space<vmem>>
        %parallel_loop3A_442 = tpu.memref_squeeze %parallel_loop3A_441 : memref<1x256x64xf32, #tpu.memory_space<vmem>> -> memref<256x64xf32, #tpu.memory_space<vmem>>
        %parallel_loop3A_443 = arith.index_cast %parallel_loop3A_407 : i32 to index
        %parallel_loop3A_444 = arith.constant 16 : index
        %parallel_loop3A_445 = tpu.vector_load %parallel_loop3A_442[%parallel_loop3A_443, %parallel_loop3A_444] {strides = array<i32>} : memref<256x64xf32, #tpu.memory_space<vmem>>, vector<1x16xf32>,
        %parallel_loop3A_446 = vector.shape_cast %parallel_loop3A_445 : vector<1x16xf32> to vector<16xf32>
        %parallel_loop3A_447 = vector.shape_cast %parallel_loop3A_438 : vector<16xf32> to vector<1x16xf32>
        tpu.vector_store %parallel_loop3A_442[%parallel_loop3A_443, %parallel_loop3A_444], %parallel_loop3A_447 {strides = array<i32>} : memref<256x64xf32, #tpu.memory_space<vmem>>, vector<1x16xf32>,
        %parallel_loop3A_448 = arith.constant 0 : i32
        %parallel_loop3A_449 = arith.constant 0 : i32
        %parallel_loop3A_450 = tpu.memref_slice %arg6[%parallel_loop3A_182, %parallel_loop3A_448, %parallel_loop3A_449] : memref<4x256x64xf32, #tpu.memory_space<vmem>> -> memref<1x256x64xf32, #tpu.memory_space<vmem>>
        %parallel_loop3A_451 = tpu.memref_squeeze %parallel_loop3A_450 : memref<1x256x64xf32, #tpu.memory_space<vmem>> -> memref<256x64xf32, #tpu.memory_space<vmem>>
        %parallel_loop3A_452 = arith.index_cast %parallel_loop3A_407 : i32 to index
        %parallel_loop3A_453 = arith.constant 32 : index
        %parallel_loop3A_454 = tpu.vector_load %parallel_loop3A_451[%parallel_loop3A_452, %parallel_loop3A_453] {strides = array<i32>} : memref<256x64xf32, #tpu.memory_space<vmem>>, vector<1x16xf32>,
        %parallel_loop3A_455 = vector.shape_cast %parallel_loop3A_454 : vector<1x16xf32> to vector<16xf32>
        %parallel_loop3A_456 = arith.constant 8.000000e+00 : f32
        %parallel_loop3A_457 = vector.broadcast %parallel_loop3A_456 : f32 to vector<16xf32>
        %parallel_loop3A_458 = arith.mulf %parallel_loop3A_455, %parallel_loop3A_457 : vector<16xf32>
        %parallel_loop3A_459 = arith.constant 0 : i32
        %parallel_loop3A_460 = arith.constant 0 : i32
        %parallel_loop3A_461 = tpu.memref_slice %arg7[%parallel_loop3A_183, %parallel_loop3A_459, %parallel_loop3A_460] : memref<2x256x64xf32, #tpu.memory_space<vmem>> -> memref<1x256x64xf32, #tpu.memory_space<vmem>>
        %parallel_loop3A_462 = tpu.memref_squeeze %parallel_loop3A_461 : memref<1x256x64xf32, #tpu.memory_space<vmem>> -> memref<256x64xf32, #tpu.memory_space<vmem>>
        %parallel_loop3A_463 = arith.index_cast %parallel_loop3A_407 : i32 to index
        %parallel_loop3A_464 = arith.constant 32 : index
        %parallel_loop3A_465 = tpu.vector_load %parallel_loop3A_462[%parallel_loop3A_463, %parallel_loop3A_464] {strides = array<i32>} : memref<256x64xf32, #tpu.memory_space<vmem>>, vector<1x16xf32>,
        %parallel_loop3A_466 = vector.shape_cast %parallel_loop3A_465 : vector<1x16xf32> to vector<16xf32>
        %parallel_loop3A_467 = vector.shape_cast %parallel_loop3A_458 : vector<16xf32> to vector<1x16xf32>
        tpu.vector_store %parallel_loop3A_462[%parallel_loop3A_463, %parallel_loop3A_464], %parallel_loop3A_467 {strides = array<i32>} : memref<256x64xf32, #tpu.memory_space<vmem>>, vector<1x16xf32>,
        %parallel_loop3A_468 = arith.constant 0 : i32
        %parallel_loop3A_469 = arith.constant 0 : i32
        %parallel_loop3A_470 = tpu.memref_slice %arg6[%parallel_loop3A_182, %parallel_loop3A_468, %parallel_loop3A_469] : memref<4x256x64xf32, #tpu.memory_space<vmem>> -> memref<1x256x64xf32, #tpu.memory_space<vmem>>
        %parallel_loop3A_471 = tpu.memref_squeeze %parallel_loop3A_470 : memref<1x256x64xf32, #tpu.memory_space<vmem>> -> memref<256x64xf32, #tpu.memory_space<vmem>>
        %parallel_loop3A_472 = arith.index_cast %parallel_loop3A_407 : i32 to index
        %parallel_loop3A_473 = arith.constant 48 : index
        %parallel_loop3A_474 = tpu.vector_load %parallel_loop3A_471[%parallel_loop3A_472, %parallel_loop3A_473] {strides = array<i32>} : memref<256x64xf32, #tpu.memory_space<vmem>>, vector<1x16xf32>,
        %parallel_loop3A_475 = vector.shape_cast %parallel_loop3A_474 : vector<1x16xf32> to vector<16xf32>
        %parallel_loop3A_476 = arith.constant 8.000000e+00 : f32
        %parallel_loop3A_477 = vector.broadcast %parallel_loop3A_476 : f32 to vector<16xf32>
        %parallel_loop3A_478 = arith.mulf %parallel_loop3A_475, %parallel_loop3A_477 : vector<16xf32>
        %parallel_loop3A_479 = arith.constant 0 : i32
        %parallel_loop3A_480 = arith.constant 0 : i32
        %parallel_loop3A_481 = tpu.memref_slice %arg7[%parallel_loop3A_183, %parallel_loop3A_479, %parallel_loop3A_480] : memref<2x256x64xf32, #tpu.memory_space<vmem>> -> memref<1x256x64xf32, #tpu.memory_space<vmem>>
        %parallel_loop3A_482 = tpu.memref_squeeze %parallel_loop3A_481 : memref<1x256x64xf32, #tpu.memory_space<vmem>> -> memref<256x64xf32, #tpu.memory_space<vmem>>
        %parallel_loop3A_483 = arith.index_cast %parallel_loop3A_407 : i32 to index
        %parallel_loop3A_484 = arith.constant 48 : index
        %parallel_loop3A_485 = tpu.vector_load %parallel_loop3A_482[%parallel_loop3A_483, %parallel_loop3A_484] {strides = array<i32>} : memref<256x64xf32, #tpu.memory_space<vmem>>, vector<1x16xf32>,
        %parallel_loop3A_486 = vector.shape_cast %parallel_loop3A_485 : vector<1x16xf32> to vector<16xf32>
        %parallel_loop3A_487 = vector.shape_cast %parallel_loop3A_478 : vector<16xf32> to vector<1x16xf32>
        tpu.vector_store %parallel_loop3A_482[%parallel_loop3A_483, %parallel_loop3A_484], %parallel_loop3A_487 {strides = array<i32>} : memref<256x64xf32, #tpu.memory_space<vmem>>, vector<1x16xf32>,
      } {sc.loop_unroll_factor = 8 : i64, sc.parallel_access}
      %mul3A_184 = arith.constant 256 : i32
      %mul3A_185 = arith.muli %add3A_145, %mul3A_184 : i32
      %add3A_186 = arith.addi %mul3A_2, %mul3A_185 : i32
      %dma_start3A_187 = arith.constant 0 : i32
      %dma_start3A_188 = arith.constant 0 : i32
      %dma_start3A_189 = arith.constant 0 : i32
      %dma_start3A_190 = tpu.memref_slice %arg7[%dma_start3A_187, %dma_start3A_188, %dma_start3A_189] : memref<2x256x64xf32, #tpu.memory_space<vmem>> -> memref<1x256x64xf32, #tpu.memory_space<vmem>>
      %dma_start3A_191 = tpu.memref_squeeze %dma_start3A_190 : memref<1x256x64xf32, #tpu.memory_space<vmem>> -> memref<256x64xf32, #tpu.memory_space<vmem>>
      %dma_start3A_192 = arith.constant 0 : i32
      %dma_start3A_193 = tpu.memref_slice %arg4[%add3A_186, %dma_start3A_192] : memref<819200x64xf32, #tpu.memory_space<hbm>> -> memref<256x64xf32, #tpu.memory_space<hbm>>
      %dma_start3A_194 = arith.constant 0 : i32
      %dma_start3A_195 = tpu.memref_slice %arg4[%add3A_186, %dma_start3A_194] : memref<819200x64xf32, #tpu.memory_space<hbm>> -> memref<256x64xf32, #tpu.memory_space<hbm>>
      %dma_start3A_196 = arith.constant 0 : i32
      %dma_start3A_197 = arith.constant 0 : i32
      %dma_start3A_198 = tpu.memref_slice %arg7[%dma_start3A_187, %dma_start3A_196, %dma_start3A_197] : memref<2x256x64xf32, #tpu.memory_space<vmem>> -> memref<1x256x64xf32, #tpu.memory_space<vmem>>
      %dma_start3A_199 = tpu.memref_squeeze %dma_start3A_198 : memref<1x256x64xf32, #tpu.memory_space<vmem>> -> memref<256x64xf32, #tpu.memory_space<vmem>>
      tpu.enqueue_dma source(%dma_start3A_199 : memref<256x64xf32, #tpu.memory_space<vmem>>) target(%dma_start3A_195 : memref<256x64xf32, #tpu.memory_space<hbm>>) target_semaphore(%arg12 : memref<!tpu.dma_semaphore, #tpu.memory_space<semaphore_mem>>)
      %add3A_200 = arith.constant 4 : i32
      %add3A_201 = arith.addi %add3A_145, %add3A_200 : i32
      %lt3A = arith.constant 100 : i32
      %lt3A_202 = arith.cmpi slt, %add3A_201, %lt3A : i32
      %convert_element_type3A_203 = arith.extui %lt3A_202 : i1 to i32
      %cond3A_204 = arith.constant 0 : i32
      %cond3A_205 = arith.cmpi ne, %convert_element_type3A_203, %cond3A_204 : i32
      scf.if %cond3A_205 {
        %add3A_407 = arith.constant 4 : i32
        %add3A_408 = arith.addi %add3A_145, %add3A_407 : i32
        %mul3A_409 = arith.constant 256 : i32
        %mul3A_410 = arith.muli %add3A_408, %mul3A_409 : i32
        %add3A_411 = arith.constant 0 : i32
        %add3A_412 = arith.addi %mul3A_410, %add3A_411 : i32
        %dma_start3A_413 = arith.constant 0 : i32
        %dma_start3A_414 = arith.constant 0 : i32
        %dma_start3A_415 = arith.constant 0 : i32
        %dma_start3A_416 = tpu.memref_slice %arg6[%dma_start3A_413, %dma_start3A_414, %dma_start3A_415] : memref<4x256x64xf32, #tpu.memory_space<vmem>> -> memref<1x256x64xf32, #tpu.memory_space<vmem>>
        %dma_start3A_417 = tpu.memref_squeeze %dma_start3A_416 : memref<1x256x64xf32, #tpu.memory_space<vmem>> -> memref<256x64xf32, #tpu.memory_space<vmem>>
        %dma_start3A_418 = arith.constant 0 : i32
        %dma_start3A_419 = arith.constant 0 : i32
        %dma_start3A_420 = tpu.memref_slice %dma_start3A_417[%dma_start3A_418, %dma_start3A_419] : memref<256x64xf32, #tpu.memory_space<vmem>> -> memref<128x64xf32, #tpu.memory_space<vmem>>
        %dma_start3A_421 = tpu.memref_slice %arg5[%add3A_412] : memref<25600xi32, #tpu.memory_space<vmem>> -> memref<128xi32, #tpu.memory_space<vmem>>
        %dma_start3A_422 = arith.constant 0 : i32
        %dma_start3A_423 = arith.constant 0 : i32
        %dma_start3A_424 = tpu.memref_slice %arg3[%dma_start3A_422, %dma_start3A_423] : memref<1000000x64xf32, #tpu.memory_space<hbm>> -> memref<1000000x64xf32, #tpu.memory_space<hbm>>
        tpu.enqueue_indirect_dma source(%dma_start3A_424 : memref<1000000x64xf32, #tpu.memory_space<hbm>>) target(%dma_start3A_420 : memref<128x64xf32, #tpu.memory_space<vmem>>) offsets(%dma_start3A_421 : memref<128xi32, #tpu.memory_space<vmem>>) semaphore(%arg8 : memref<!tpu.dma_semaphore, #tpu.memory_space<semaphore_mem>>)
        %mul3A_425 = arith.constant 256 : i32
        %mul3A_426 = arith.muli %add3A_408, %mul3A_425 : i32
        %add3A_427 = arith.constant 128 : i32
        %add3A_428 = arith.addi %mul3A_426, %add3A_427 : i32
        %dma_start3A_429 = arith.constant 0 : i32
        %dma_start3A_430 = arith.constant 0 : i32
        %dma_start3A_431 = arith.constant 0 : i32
        %dma_start3A_432 = tpu.memref_slice %arg6[%dma_start3A_429, %dma_start3A_430, %dma_start3A_431] : memref<4x256x64xf32, #tpu.memory_space<vmem>> -> memref<1x256x64xf32, #tpu.memory_space<vmem>>
        %dma_start3A_433 = tpu.memref_squeeze %dma_start3A_432 : memref<1x256x64xf32, #tpu.memory_space<vmem>> -> memref<256x64xf32, #tpu.memory_space<vmem>>
        %dma_start3A_434 = arith.constant 128 : i32
        %dma_start3A_435 = arith.constant 0 : i32
        %dma_start3A_436 = tpu.memref_slice %dma_start3A_433[%dma_start3A_434, %dma_start3A_435] : memref<256x64xf32, #tpu.memory_space<vmem>> -> memref<128x64xf32, #tpu.memory_space<vmem>>
        %dma_start3A_437 = tpu.memref_slice %arg5[%add3A_428] : memref<25600xi32, #tpu.memory_space<vmem>> -> memref<128xi32, #tpu.memory_space<vmem>>
        %dma_start3A_438 = arith.constant 0 : i32
        %dma_start3A_439 = arith.constant 0 : i32
        %dma_start3A_440 = tpu.memref_slice %arg3[%dma_start3A_438, %dma_start3A_439] : memref<1000000x64xf32, #tpu.memory_space<hbm>> -> memref<1000000x64xf32, #tpu.memory_space<hbm>>
        tpu.enqueue_indirect_dma source(%dma_start3A_440 : memref<1000000x64xf32, #tpu.memory_space<hbm>>) target(%dma_start3A_436 : memref<128x64xf32, #tpu.memory_space<vmem>>) offsets(%dma_start3A_437 : memref<128xi32, #tpu.memory_space<vmem>>) semaphore(%arg8 : memref<!tpu.dma_semaphore, #tpu.memory_space<semaphore_mem>>)
      } else {
      }
      %add3A_206 = arith.constant 1 : i32
      %add3A_207 = arith.addi %add3A_143, %add3A_206 : i32
      %mul3A_208 = arith.constant 256 : i32
      %mul3A_209 = arith.muli %add3A_207, %mul3A_208 : i32
      %add3A_210 = arith.constant 0 : i32
      %add3A_211 = arith.addi %mul3A_209, %add3A_210 : i32
      %dma_wait3A_212 = arith.constant 1 : i32
      %dma_wait3A_213 = arith.constant 0 : i32
      %dma_wait3A_214 = arith.constant 0 : i32
      %dma_wait3A_215 = tpu.memref_slice %arg6[%dma_wait3A_212, %dma_wait3A_213, %dma_wait3A_214] : memref<4x256x64xf32, #tpu.memory_space<vmem>> -> memref<1x256x64xf32, #tpu.memory_space<vmem>>
      %dma_wait3A_216 = tpu.memref_squeeze %dma_wait3A_215 : memref<1x256x64xf32, #tpu.memory_space<vmem>> -> memref<256x64xf32, #tpu.memory_space<vmem>>
      %dma_wait3A_217 = arith.constant 0 : i32
      %dma_wait3A_218 = arith.constant 0 : i32
      %dma_wait3A_219 = tpu.memref_slice %dma_wait3A_216[%dma_wait3A_217, %dma_wait3A_218] : memref<256x64xf32, #tpu.memory_space<vmem>> -> memref<128x64xf32, #tpu.memory_space<vmem>>
      %dma_wait3A_220 = tpu.memref_slice %arg5[%add3A_211] : memref<25600xi32, #tpu.memory_space<vmem>> -> memref<128xi32, #tpu.memory_space<vmem>>
      %dma_wait3A_221 = arith.constant 0 : i32
      %dma_wait3A_222 = arith.constant 0 : i32
      %dma_wait3A_223 = tpu.memref_slice %arg3[%dma_wait3A_221, %dma_wait3A_222] : memref<1000000x64xf32, #tpu.memory_space<hbm>> -> memref<1000000x64xf32, #tpu.memory_space<hbm>>
      tpu.wait_indirect_dma semaphore(%arg9 : memref<!tpu.dma_semaphore, #tpu.memory_space<semaphore_mem>>) src(%dma_wait3A_223 : memref<1000000x64xf32, #tpu.memory_space<hbm>>) dst(%dma_wait3A_219 : memref<128x64xf32, #tpu.memory_space<vmem>>)
      %mul3A_224 = arith.constant 256 : i32
      %mul3A_225 = arith.muli %add3A_207, %mul3A_224 : i32
      %add3A_226 = arith.constant 128 : i32
      %add3A_227 = arith.addi %mul3A_225, %add3A_226 : i32
      %dma_wait3A_228 = arith.constant 1 : i32
      %dma_wait3A_229 = arith.constant 0 : i32
      %dma_wait3A_230 = arith.constant 0 : i32
      %dma_wait3A_231 = tpu.memref_slice %arg6[%dma_wait3A_228, %dma_wait3A_229, %dma_wait3A_230] : memref<4x256x64xf32, #tpu.memory_space<vmem>> -> memref<1x256x64xf32, #tpu.memory_space<vmem>>
      %dma_wait3A_232 = tpu.memref_squeeze %dma_wait3A_231 : memref<1x256x64xf32, #tpu.memory_space<vmem>> -> memref<256x64xf32, #tpu.memory_space<vmem>>
      %dma_wait3A_233 = arith.constant 128 : i32
      %dma_wait3A_234 = arith.constant 0 : i32
      %dma_wait3A_235 = tpu.memref_slice %dma_wait3A_232[%dma_wait3A_233, %dma_wait3A_234] : memref<256x64xf32, #tpu.memory_space<vmem>> -> memref<128x64xf32, #tpu.memory_space<vmem>>
      %dma_wait3A_236 = tpu.memref_slice %arg5[%add3A_227] : memref<25600xi32, #tpu.memory_space<vmem>> -> memref<128xi32, #tpu.memory_space<vmem>>
      %dma_wait3A_237 = arith.constant 0 : i32
      %dma_wait3A_238 = arith.constant 0 : i32
      %dma_wait3A_239 = tpu.memref_slice %arg3[%dma_wait3A_237, %dma_wait3A_238] : memref<1000000x64xf32, #tpu.memory_space<hbm>> -> memref<1000000x64xf32, #tpu.memory_space<hbm>>
      tpu.wait_indirect_dma semaphore(%arg9 : memref<!tpu.dma_semaphore, #tpu.memory_space<semaphore_mem>>) src(%dma_wait3A_239 : memref<1000000x64xf32, #tpu.memory_space<hbm>>) dst(%dma_wait3A_235 : memref<128x64xf32, #tpu.memory_space<vmem>>)
      %ge3A_240 = arith.constant 2 : i32
      %ge3A_241 = arith.cmpi sge, %add3A_207, %ge3A_240 : i32
      %convert_element_type3A_242 = arith.extui %ge3A_241 : i1 to i32
      %cond3A_243 = arith.constant 0 : i32
      %cond3A_244 = arith.cmpi ne, %convert_element_type3A_242, %cond3A_243 : i32
      scf.if %cond3A_244 {
        %sub3A = arith.constant 2 : i32
        %sub3A_407 = arith.subi %add3A_207, %sub3A : i32
        %mul3A_408 = arith.constant 256 : i32
        %mul3A_409 = arith.muli %sub3A_407, %mul3A_408 : i32
        %add3A_410 = arith.addi %mul3A_2, %mul3A_409 : i32
        %dma_wait3A_411 = arith.constant 1 : i32
        %dma_wait3A_412 = arith.constant 0 : i32
        %dma_wait3A_413 = arith.constant 0 : i32
        %dma_wait3A_414 = tpu.memref_slice %arg7[%dma_wait3A_411, %dma_wait3A_412, %dma_wait3A_413] : memref<2x256x64xf32, #tpu.memory_space<vmem>> -> memref<1x256x64xf32, #tpu.memory_space<vmem>>
        %dma_wait3A_415 = tpu.memref_squeeze %dma_wait3A_414 : memref<1x256x64xf32, #tpu.memory_space<vmem>> -> memref<256x64xf32, #tpu.memory_space<vmem>>
        %dma_wait3A_416 = arith.constant 0 : i32
        %dma_wait3A_417 = tpu.memref_slice %arg4[%add3A_410, %dma_wait3A_416] : memref<819200x64xf32, #tpu.memory_space<hbm>> -> memref<256x64xf32, #tpu.memory_space<hbm>>
        %dma_wait3A_418 = arith.constant 0 : i32
        %dma_wait3A_419 = tpu.memref_slice %arg4[%add3A_410, %dma_wait3A_418] : memref<819200x64xf32, #tpu.memory_space<hbm>> -> memref<256x64xf32, #tpu.memory_space<hbm>>
        %dma_wait3A_420 = arith.constant 0 : i32
        %dma_wait3A_421 = arith.constant 0 : i32
        %dma_wait3A_422 = tpu.memref_slice %arg7[%dma_wait3A_411, %dma_wait3A_420, %dma_wait3A_421] : memref<2x256x64xf32, #tpu.memory_space<vmem>> -> memref<1x256x64xf32, #tpu.memory_space<vmem>>
        %dma_wait3A_423 = tpu.memref_squeeze %dma_wait3A_422 : memref<1x256x64xf32, #tpu.memory_space<vmem>> -> memref<256x64xf32, #tpu.memory_space<vmem>>
        tpu.wait_dma2 semaphore(%arg13 : memref<!tpu.dma_semaphore, #tpu.memory_space<semaphore_mem>>) src(%dma_wait3A_423 : memref<256x64xf32, #tpu.memory_space<vmem>>) dst(%dma_wait3A_419 : memref<256x64xf32, #tpu.memory_space<hbm>>)
      } else {
      }
      %parallel_loop3A_245 = arith.constant 0 : i32
      %parallel_loop3A_246 = arith.constant 256 : i32
      %parallel_loop3A_247 = arith.constant 1 : i32
      %parallel_loop3A_248 = arith.constant 1 : i32
      %parallel_loop3A_249 = arith.constant 1 : i32
      scf.for %parallel_loop3A_407 = %parallel_loop3A_245 to %parallel_loop3A_246 step %parallel_loop3A_247  : i32 {
        %parallel_loop3A_408 = arith.constant 0 : i32
        %parallel_loop3A_409 = arith.constant 0 : i32
        %parallel_loop3A_410 = tpu.memref_slice %arg6[%parallel_loop3A_248, %parallel_loop3A_408, %parallel_loop3A_409] : memref<4x256x64xf32, #tpu.memory_space<vmem>> -> memref<1x256x64xf32, #tpu.memory_space<vmem>>
        %parallel_loop3A_411 = tpu.memref_squeeze %parallel_loop3A_410 : memref<1x256x64xf32, #tpu.memory_space<vmem>> -> memref<256x64xf32, #tpu.memory_space<vmem>>
        %parallel_loop3A_412 = arith.index_cast %parallel_loop3A_407 : i32 to index
        %parallel_loop3A_413 = arith.constant 0 : index
        %parallel_loop3A_414 = tpu.vector_load %parallel_loop3A_411[%parallel_loop3A_412, %parallel_loop3A_413] {strides = array<i32>} : memref<256x64xf32, #tpu.memory_space<vmem>>, vector<1x16xf32>,
        %parallel_loop3A_415 = vector.shape_cast %parallel_loop3A_414 : vector<1x16xf32> to vector<16xf32>
        %parallel_loop3A_416 = arith.constant 8.000000e+00 : f32
        %parallel_loop3A_417 = vector.broadcast %parallel_loop3A_416 : f32 to vector<16xf32>
        %parallel_loop3A_418 = arith.mulf %parallel_loop3A_415, %parallel_loop3A_417 : vector<16xf32>
        %parallel_loop3A_419 = arith.constant 0 : i32
        %parallel_loop3A_420 = arith.constant 0 : i32
        %parallel_loop3A_421 = tpu.memref_slice %arg7[%parallel_loop3A_249, %parallel_loop3A_419, %parallel_loop3A_420] : memref<2x256x64xf32, #tpu.memory_space<vmem>> -> memref<1x256x64xf32, #tpu.memory_space<vmem>>
        %parallel_loop3A_422 = tpu.memref_squeeze %parallel_loop3A_421 : memref<1x256x64xf32, #tpu.memory_space<vmem>> -> memref<256x64xf32, #tpu.memory_space<vmem>>
        %parallel_loop3A_423 = arith.index_cast %parallel_loop3A_407 : i32 to index
        %parallel_loop3A_424 = arith.constant 0 : index
        %parallel_loop3A_425 = tpu.vector_load %parallel_loop3A_422[%parallel_loop3A_423, %parallel_loop3A_424] {strides = array<i32>} : memref<256x64xf32, #tpu.memory_space<vmem>>, vector<1x16xf32>,
        %parallel_loop3A_426 = vector.shape_cast %parallel_loop3A_425 : vector<1x16xf32> to vector<16xf32>
        %parallel_loop3A_427 = vector.shape_cast %parallel_loop3A_418 : vector<16xf32> to vector<1x16xf32>
        tpu.vector_store %parallel_loop3A_422[%parallel_loop3A_423, %parallel_loop3A_424], %parallel_loop3A_427 {strides = array<i32>} : memref<256x64xf32, #tpu.memory_space<vmem>>, vector<1x16xf32>,
        %parallel_loop3A_428 = arith.constant 0 : i32
        %parallel_loop3A_429 = arith.constant 0 : i32
        %parallel_loop3A_430 = tpu.memref_slice %arg6[%parallel_loop3A_248, %parallel_loop3A_428, %parallel_loop3A_429] : memref<4x256x64xf32, #tpu.memory_space<vmem>> -> memref<1x256x64xf32, #tpu.memory_space<vmem>>
        %parallel_loop3A_431 = tpu.memref_squeeze %parallel_loop3A_430 : memref<1x256x64xf32, #tpu.memory_space<vmem>> -> memref<256x64xf32, #tpu.memory_space<vmem>>
        %parallel_loop3A_432 = arith.index_cast %parallel_loop3A_407 : i32 to index
        %parallel_loop3A_433 = arith.constant 16 : index
        %parallel_loop3A_434 = tpu.vector_load %parallel_loop3A_431[%parallel_loop3A_432, %parallel_loop3A_433] {strides = array<i32>} : memref<256x64xf32, #tpu.memory_space<vmem>>, vector<1x16xf32>,
        %parallel_loop3A_435 = vector.shape_cast %parallel_loop3A_434 : vector<1x16xf32> to vector<16xf32>
        %parallel_loop3A_436 = arith.constant 8.000000e+00 : f32
        %parallel_loop3A_437 = vector.broadcast %parallel_loop3A_436 : f32 to vector<16xf32>
        %parallel_loop3A_438 = arith.mulf %parallel_loop3A_435, %parallel_loop3A_437 : vector<16xf32>
        %parallel_loop3A_439 = arith.constant 0 : i32
        %parallel_loop3A_440 = arith.constant 0 : i32
        %parallel_loop3A_441 = tpu.memref_slice %arg7[%parallel_loop3A_249, %parallel_loop3A_439, %parallel_loop3A_440] : memref<2x256x64xf32, #tpu.memory_space<vmem>> -> memref<1x256x64xf32, #tpu.memory_space<vmem>>
        %parallel_loop3A_442 = tpu.memref_squeeze %parallel_loop3A_441 : memref<1x256x64xf32, #tpu.memory_space<vmem>> -> memref<256x64xf32, #tpu.memory_space<vmem>>
        %parallel_loop3A_443 = arith.index_cast %parallel_loop3A_407 : i32 to index
        %parallel_loop3A_444 = arith.constant 16 : index
        %parallel_loop3A_445 = tpu.vector_load %parallel_loop3A_442[%parallel_loop3A_443, %parallel_loop3A_444] {strides = array<i32>} : memref<256x64xf32, #tpu.memory_space<vmem>>, vector<1x16xf32>,
        %parallel_loop3A_446 = vector.shape_cast %parallel_loop3A_445 : vector<1x16xf32> to vector<16xf32>
        %parallel_loop3A_447 = vector.shape_cast %parallel_loop3A_438 : vector<16xf32> to vector<1x16xf32>
        tpu.vector_store %parallel_loop3A_442[%parallel_loop3A_443, %parallel_loop3A_444], %parallel_loop3A_447 {strides = array<i32>} : memref<256x64xf32, #tpu.memory_space<vmem>>, vector<1x16xf32>,
        %parallel_loop3A_448 = arith.constant 0 : i32
        %parallel_loop3A_449 = arith.constant 0 : i32
        %parallel_loop3A_450 = tpu.memref_slice %arg6[%parallel_loop3A_248, %parallel_loop3A_448, %parallel_loop3A_449] : memref<4x256x64xf32, #tpu.memory_space<vmem>> -> memref<1x256x64xf32, #tpu.memory_space<vmem>>
        %parallel_loop3A_451 = tpu.memref_squeeze %parallel_loop3A_450 : memref<1x256x64xf32, #tpu.memory_space<vmem>> -> memref<256x64xf32, #tpu.memory_space<vmem>>
        %parallel_loop3A_452 = arith.index_cast %parallel_loop3A_407 : i32 to index
        %parallel_loop3A_453 = arith.constant 32 : index
        %parallel_loop3A_454 = tpu.vector_load %parallel_loop3A_451[%parallel_loop3A_452, %parallel_loop3A_453] {strides = array<i32>} : memref<256x64xf32, #tpu.memory_space<vmem>>, vector<1x16xf32>,
        %parallel_loop3A_455 = vector.shape_cast %parallel_loop3A_454 : vector<1x16xf32> to vector<16xf32>
        %parallel_loop3A_456 = arith.constant 8.000000e+00 : f32
        %parallel_loop3A_457 = vector.broadcast %parallel_loop3A_456 : f32 to vector<16xf32>
        %parallel_loop3A_458 = arith.mulf %parallel_loop3A_455, %parallel_loop3A_457 : vector<16xf32>
        %parallel_loop3A_459 = arith.constant 0 : i32
        %parallel_loop3A_460 = arith.constant 0 : i32
        %parallel_loop3A_461 = tpu.memref_slice %arg7[%parallel_loop3A_249, %parallel_loop3A_459, %parallel_loop3A_460] : memref<2x256x64xf32, #tpu.memory_space<vmem>> -> memref<1x256x64xf32, #tpu.memory_space<vmem>>
        %parallel_loop3A_462 = tpu.memref_squeeze %parallel_loop3A_461 : memref<1x256x64xf32, #tpu.memory_space<vmem>> -> memref<256x64xf32, #tpu.memory_space<vmem>>
        %parallel_loop3A_463 = arith.index_cast %parallel_loop3A_407 : i32 to index
        %parallel_loop3A_464 = arith.constant 32 : index
        %parallel_loop3A_465 = tpu.vector_load %parallel_loop3A_462[%parallel_loop3A_463, %parallel_loop3A_464] {strides = array<i32>} : memref<256x64xf32, #tpu.memory_space<vmem>>, vector<1x16xf32>,
        %parallel_loop3A_466 = vector.shape_cast %parallel_loop3A_465 : vector<1x16xf32> to vector<16xf32>
        %parallel_loop3A_467 = vector.shape_cast %parallel_loop3A_458 : vector<16xf32> to vector<1x16xf32>
        tpu.vector_store %parallel_loop3A_462[%parallel_loop3A_463, %parallel_loop3A_464], %parallel_loop3A_467 {strides = array<i32>} : memref<256x64xf32, #tpu.memory_space<vmem>>, vector<1x16xf32>,
        %parallel_loop3A_468 = arith.constant 0 : i32
        %parallel_loop3A_469 = arith.constant 0 : i32
        %parallel_loop3A_470 = tpu.memref_slice %arg6[%parallel_loop3A_248, %parallel_loop3A_468, %parallel_loop3A_469] : memref<4x256x64xf32, #tpu.memory_space<vmem>> -> memref<1x256x64xf32, #tpu.memory_space<vmem>>
        %parallel_loop3A_471 = tpu.memref_squeeze %parallel_loop3A_470 : memref<1x256x64xf32, #tpu.memory_space<vmem>> -> memref<256x64xf32, #tpu.memory_space<vmem>>
        %parallel_loop3A_472 = arith.index_cast %parallel_loop3A_407 : i32 to index
        %parallel_loop3A_473 = arith.constant 48 : index
        %parallel_loop3A_474 = tpu.vector_load %parallel_loop3A_471[%parallel_loop3A_472, %parallel_loop3A_473] {strides = array<i32>} : memref<256x64xf32, #tpu.memory_space<vmem>>, vector<1x16xf32>,
        %parallel_loop3A_475 = vector.shape_cast %parallel_loop3A_474 : vector<1x16xf32> to vector<16xf32>
        %parallel_loop3A_476 = arith.constant 8.000000e+00 : f32
        %parallel_loop3A_477 = vector.broadcast %parallel_loop3A_476 : f32 to vector<16xf32>
        %parallel_loop3A_478 = arith.mulf %parallel_loop3A_475, %parallel_loop3A_477 : vector<16xf32>
        %parallel_loop3A_479 = arith.constant 0 : i32
        %parallel_loop3A_480 = arith.constant 0 : i32
        %parallel_loop3A_481 = tpu.memref_slice %arg7[%parallel_loop3A_249, %parallel_loop3A_479, %parallel_loop3A_480] : memref<2x256x64xf32, #tpu.memory_space<vmem>> -> memref<1x256x64xf32, #tpu.memory_space<vmem>>
        %parallel_loop3A_482 = tpu.memref_squeeze %parallel_loop3A_481 : memref<1x256x64xf32, #tpu.memory_space<vmem>> -> memref<256x64xf32, #tpu.memory_space<vmem>>
        %parallel_loop3A_483 = arith.index_cast %parallel_loop3A_407 : i32 to index
        %parallel_loop3A_484 = arith.constant 48 : index
        %parallel_loop3A_485 = tpu.vector_load %parallel_loop3A_482[%parallel_loop3A_483, %parallel_loop3A_484] {strides = array<i32>} : memref<256x64xf32, #tpu.memory_space<vmem>>, vector<1x16xf32>,
        %parallel_loop3A_486 = vector.shape_cast %parallel_loop3A_485 : vector<1x16xf32> to vector<16xf32>
        %parallel_loop3A_487 = vector.shape_cast %parallel_loop3A_478 : vector<16xf32> to vector<1x16xf32>
        tpu.vector_store %parallel_loop3A_482[%parallel_loop3A_483, %parallel_loop3A_484], %parallel_loop3A_487 {strides = array<i32>} : memref<256x64xf32, #tpu.memory_space<vmem>>, vector<1x16xf32>,
      } {sc.loop_unroll_factor = 8 : i64, sc.parallel_access}
      %mul3A_250 = arith.constant 256 : i32
      %mul3A_251 = arith.muli %add3A_207, %mul3A_250 : i32
      %add3A_252 = arith.addi %mul3A_2, %mul3A_251 : i32
      %dma_start3A_253 = arith.constant 1 : i32
      %dma_start3A_254 = arith.constant 0 : i32
      %dma_start3A_255 = arith.constant 0 : i32
      %dma_start3A_256 = tpu.memref_slice %arg7[%dma_start3A_253, %dma_start3A_254, %dma_start3A_255] : memref<2x256x64xf32, #tpu.memory_space<vmem>> -> memref<1x256x64xf32, #tpu.memory_space<vmem>>
      %dma_start3A_257 = tpu.memref_squeeze %dma_start3A_256 : memref<1x256x64xf32, #tpu.memory_space<vmem>> -> memref<256x64xf32, #tpu.memory_space<vmem>>
      %dma_start3A_258 = arith.constant 0 : i32
      %dma_start3A_259 = tpu.memref_slice %arg4[%add3A_252, %dma_start3A_258] : memref<819200x64xf32, #tpu.memory_space<hbm>> -> memref<256x64xf32, #tpu.memory_space<hbm>>
      %dma_start3A_260 = arith.constant 0 : i32
      %dma_start3A_261 = tpu.memref_slice %arg4[%add3A_252, %dma_start3A_260] : memref<819200x64xf32, #tpu.memory_space<hbm>> -> memref<256x64xf32, #tpu.memory_space<hbm>>
      %dma_start3A_262 = arith.constant 0 : i32
      %dma_start3A_263 = arith.constant 0 : i32
      %dma_start3A_264 = tpu.memref_slice %arg7[%dma_start3A_253, %dma_start3A_262, %dma_start3A_263] : memref<2x256x64xf32, #tpu.memory_space<vmem>> -> memref<1x256x64xf32, #tpu.memory_space<vmem>>
      %dma_start3A_265 = tpu.memref_squeeze %dma_start3A_264 : memref<1x256x64xf32, #tpu.memory_space<vmem>> -> memref<256x64xf32, #tpu.memory_space<vmem>>
      tpu.enqueue_dma source(%dma_start3A_265 : memref<256x64xf32, #tpu.memory_space<vmem>>) target(%dma_start3A_261 : memref<256x64xf32, #tpu.memory_space<hbm>>) target_semaphore(%arg13 : memref<!tpu.dma_semaphore, #tpu.memory_space<semaphore_mem>>)
      %add3A_266 = arith.constant 4 : i32
      %add3A_267 = arith.addi %add3A_207, %add3A_266 : i32
      %lt3A_268 = arith.constant 100 : i32
      %lt3A_269 = arith.cmpi slt, %add3A_267, %lt3A_268 : i32
      %convert_element_type3A_270 = arith.extui %lt3A_269 : i1 to i32
      %cond3A_271 = arith.constant 0 : i32
      %cond3A_272 = arith.cmpi ne, %convert_element_type3A_270, %cond3A_271 : i32
      scf.if %cond3A_272 {
        %add3A_407 = arith.constant 4 : i32
        %add3A_408 = arith.addi %add3A_207, %add3A_407 : i32
        %mul3A_409 = arith.constant 256 : i32
        %mul3A_410 = arith.muli %add3A_408, %mul3A_409 : i32
        %add3A_411 = arith.constant 0 : i32
        %add3A_412 = arith.addi %mul3A_410, %add3A_411 : i32
        %dma_start3A_413 = arith.constant 1 : i32
        %dma_start3A_414 = arith.constant 0 : i32
        %dma_start3A_415 = arith.constant 0 : i32
        %dma_start3A_416 = tpu.memref_slice %arg6[%dma_start3A_413, %dma_start3A_414, %dma_start3A_415] : memref<4x256x64xf32, #tpu.memory_space<vmem>> -> memref<1x256x64xf32, #tpu.memory_space<vmem>>
        %dma_start3A_417 = tpu.memref_squeeze %dma_start3A_416 : memref<1x256x64xf32, #tpu.memory_space<vmem>> -> memref<256x64xf32, #tpu.memory_space<vmem>>
        %dma_start3A_418 = arith.constant 0 : i32
        %dma_start3A_419 = arith.constant 0 : i32
        %dma_start3A_420 = tpu.memref_slice %dma_start3A_417[%dma_start3A_418, %dma_start3A_419] : memref<256x64xf32, #tpu.memory_space<vmem>> -> memref<128x64xf32, #tpu.memory_space<vmem>>
        %dma_start3A_421 = tpu.memref_slice %arg5[%add3A_412] : memref<25600xi32, #tpu.memory_space<vmem>> -> memref<128xi32, #tpu.memory_space<vmem>>
        %dma_start3A_422 = arith.constant 0 : i32
        %dma_start3A_423 = arith.constant 0 : i32
        %dma_start3A_424 = tpu.memref_slice %arg3[%dma_start3A_422, %dma_start3A_423] : memref<1000000x64xf32, #tpu.memory_space<hbm>> -> memref<1000000x64xf32, #tpu.memory_space<hbm>>
        tpu.enqueue_indirect_dma source(%dma_start3A_424 : memref<1000000x64xf32, #tpu.memory_space<hbm>>) target(%dma_start3A_420 : memref<128x64xf32, #tpu.memory_space<vmem>>) offsets(%dma_start3A_421 : memref<128xi32, #tpu.memory_space<vmem>>) semaphore(%arg9 : memref<!tpu.dma_semaphore, #tpu.memory_space<semaphore_mem>>)
        %mul3A_425 = arith.constant 256 : i32
        %mul3A_426 = arith.muli %add3A_408, %mul3A_425 : i32
        %add3A_427 = arith.constant 128 : i32
        %add3A_428 = arith.addi %mul3A_426, %add3A_427 : i32
        %dma_start3A_429 = arith.constant 1 : i32
        %dma_start3A_430 = arith.constant 0 : i32
        %dma_start3A_431 = arith.constant 0 : i32
        %dma_start3A_432 = tpu.memref_slice %arg6[%dma_start3A_429, %dma_start3A_430, %dma_start3A_431] : memref<4x256x64xf32, #tpu.memory_space<vmem>> -> memref<1x256x64xf32, #tpu.memory_space<vmem>>
        %dma_start3A_433 = tpu.memref_squeeze %dma_start3A_432 : memref<1x256x64xf32, #tpu.memory_space<vmem>> -> memref<256x64xf32, #tpu.memory_space<vmem>>
        %dma_start3A_434 = arith.constant 128 : i32
        %dma_start3A_435 = arith.constant 0 : i32
        %dma_start3A_436 = tpu.memref_slice %dma_start3A_433[%dma_start3A_434, %dma_start3A_435] : memref<256x64xf32, #tpu.memory_space<vmem>> -> memref<128x64xf32, #tpu.memory_space<vmem>>
        %dma_start3A_437 = tpu.memref_slice %arg5[%add3A_428] : memref<25600xi32, #tpu.memory_space<vmem>> -> memref<128xi32, #tpu.memory_space<vmem>>
        %dma_start3A_438 = arith.constant 0 : i32
        %dma_start3A_439 = arith.constant 0 : i32
        %dma_start3A_440 = tpu.memref_slice %arg3[%dma_start3A_438, %dma_start3A_439] : memref<1000000x64xf32, #tpu.memory_space<hbm>> -> memref<1000000x64xf32, #tpu.memory_space<hbm>>
        tpu.enqueue_indirect_dma source(%dma_start3A_440 : memref<1000000x64xf32, #tpu.memory_space<hbm>>) target(%dma_start3A_436 : memref<128x64xf32, #tpu.memory_space<vmem>>) offsets(%dma_start3A_437 : memref<128xi32, #tpu.memory_space<vmem>>) semaphore(%arg9 : memref<!tpu.dma_semaphore, #tpu.memory_space<semaphore_mem>>)
      } else {
      }
      %add3A_273 = arith.constant 2 : i32
      %add3A_274 = arith.addi %add3A_143, %add3A_273 : i32
      %mul3A_275 = arith.constant 256 : i32
      %mul3A_276 = arith.muli %add3A_274, %mul3A_275 : i32
      %add3A_277 = arith.constant 0 : i32
      %add3A_278 = arith.addi %mul3A_276, %add3A_277 : i32
      %dma_wait3A_279 = arith.constant 2 : i32
      %dma_wait3A_280 = arith.constant 0 : i32
      %dma_wait3A_281 = arith.constant 0 : i32
      %dma_wait3A_282 = tpu.memref_slice %arg6[%dma_wait3A_279, %dma_wait3A_280, %dma_wait3A_281] : memref<4x256x64xf32, #tpu.memory_space<vmem>> -> memref<1x256x64xf32, #tpu.memory_space<vmem>>
      %dma_wait3A_283 = tpu.memref_squeeze %dma_wait3A_282 : memref<1x256x64xf32, #tpu.memory_space<vmem>> -> memref<256x64xf32, #tpu.memory_space<vmem>>
      %dma_wait3A_284 = arith.constant 0 : i32
      %dma_wait3A_285 = arith.constant 0 : i32
      %dma_wait3A_286 = tpu.memref_slice %dma_wait3A_283[%dma_wait3A_284, %dma_wait3A_285] : memref<256x64xf32, #tpu.memory_space<vmem>> -> memref<128x64xf32, #tpu.memory_space<vmem>>
      %dma_wait3A_287 = tpu.memref_slice %arg5[%add3A_278] : memref<25600xi32, #tpu.memory_space<vmem>> -> memref<128xi32, #tpu.memory_space<vmem>>
      %dma_wait3A_288 = arith.constant 0 : i32
      %dma_wait3A_289 = arith.constant 0 : i32
      %dma_wait3A_290 = tpu.memref_slice %arg3[%dma_wait3A_288, %dma_wait3A_289] : memref<1000000x64xf32, #tpu.memory_space<hbm>> -> memref<1000000x64xf32, #tpu.memory_space<hbm>>
      tpu.wait_indirect_dma semaphore(%arg10 : memref<!tpu.dma_semaphore, #tpu.memory_space<semaphore_mem>>) src(%dma_wait3A_290 : memref<1000000x64xf32, #tpu.memory_space<hbm>>) dst(%dma_wait3A_286 : memref<128x64xf32, #tpu.memory_space<vmem>>)
      %mul3A_291 = arith.constant 256 : i32
      %mul3A_292 = arith.muli %add3A_274, %mul3A_291 : i32
      %add3A_293 = arith.constant 128 : i32
      %add3A_294 = arith.addi %mul3A_292, %add3A_293 : i32
      %dma_wait3A_295 = arith.constant 2 : i32
      %dma_wait3A_296 = arith.constant 0 : i32
      %dma_wait3A_297 = arith.constant 0 : i32
      %dma_wait3A_298 = tpu.memref_slice %arg6[%dma_wait3A_295, %dma_wait3A_296, %dma_wait3A_297] : memref<4x256x64xf32, #tpu.memory_space<vmem>> -> memref<1x256x64xf32, #tpu.memory_space<vmem>>
      %dma_wait3A_299 = tpu.memref_squeeze %dma_wait3A_298 : memref<1x256x64xf32, #tpu.memory_space<vmem>> -> memref<256x64xf32, #tpu.memory_space<vmem>>
      %dma_wait3A_300 = arith.constant 128 : i32
      %dma_wait3A_301 = arith.constant 0 : i32
      %dma_wait3A_302 = tpu.memref_slice %dma_wait3A_299[%dma_wait3A_300, %dma_wait3A_301] : memref<256x64xf32, #tpu.memory_space<vmem>> -> memref<128x64xf32, #tpu.memory_space<vmem>>
      %dma_wait3A_303 = tpu.memref_slice %arg5[%add3A_294] : memref<25600xi32, #tpu.memory_space<vmem>> -> memref<128xi32, #tpu.memory_space<vmem>>
      %dma_wait3A_304 = arith.constant 0 : i32
      %dma_wait3A_305 = arith.constant 0 : i32
      %dma_wait3A_306 = tpu.memref_slice %arg3[%dma_wait3A_304, %dma_wait3A_305] : memref<1000000x64xf32, #tpu.memory_space<hbm>> -> memref<1000000x64xf32, #tpu.memory_space<hbm>>
      tpu.wait_indirect_dma semaphore(%arg10 : memref<!tpu.dma_semaphore, #tpu.memory_space<semaphore_mem>>) src(%dma_wait3A_306 : memref<1000000x64xf32, #tpu.memory_space<hbm>>) dst(%dma_wait3A_302 : memref<128x64xf32, #tpu.memory_space<vmem>>)
      %ge3A_307 = arith.constant 2 : i32
      %ge3A_308 = arith.cmpi sge, %add3A_274, %ge3A_307 : i32
      %convert_element_type3A_309 = arith.extui %ge3A_308 : i1 to i32
      %cond3A_310 = arith.constant 0 : i32
      %cond3A_311 = arith.cmpi ne, %convert_element_type3A_309, %cond3A_310 : i32
      scf.if %cond3A_311 {
        %sub3A = arith.constant 2 : i32
        %sub3A_407 = arith.subi %add3A_274, %sub3A : i32
        %mul3A_408 = arith.constant 256 : i32
        %mul3A_409 = arith.muli %sub3A_407, %mul3A_408 : i32
        %add3A_410 = arith.addi %mul3A_2, %mul3A_409 : i32
        %dma_wait3A_411 = arith.constant 0 : i32
        %dma_wait3A_412 = arith.constant 0 : i32
        %dma_wait3A_413 = arith.constant 0 : i32
        %dma_wait3A_414 = tpu.memref_slice %arg7[%dma_wait3A_411, %dma_wait3A_412, %dma_wait3A_413] : memref<2x256x64xf32, #tpu.memory_space<vmem>> -> memref<1x256x64xf32, #tpu.memory_space<vmem>>
        %dma_wait3A_415 = tpu.memref_squeeze %dma_wait3A_414 : memref<1x256x64xf32, #tpu.memory_space<vmem>> -> memref<256x64xf32, #tpu.memory_space<vmem>>
        %dma_wait3A_416 = arith.constant 0 : i32
        %dma_wait3A_417 = tpu.memref_slice %arg4[%add3A_410, %dma_wait3A_416] : memref<819200x64xf32, #tpu.memory_space<hbm>> -> memref<256x64xf32, #tpu.memory_space<hbm>>
        %dma_wait3A_418 = arith.constant 0 : i32
        %dma_wait3A_419 = tpu.memref_slice %arg4[%add3A_410, %dma_wait3A_418] : memref<819200x64xf32, #tpu.memory_space<hbm>> -> memref<256x64xf32, #tpu.memory_space<hbm>>
        %dma_wait3A_420 = arith.constant 0 : i32
        %dma_wait3A_421 = arith.constant 0 : i32
        %dma_wait3A_422 = tpu.memref_slice %arg7[%dma_wait3A_411, %dma_wait3A_420, %dma_wait3A_421] : memref<2x256x64xf32, #tpu.memory_space<vmem>> -> memref<1x256x64xf32, #tpu.memory_space<vmem>>
        %dma_wait3A_423 = tpu.memref_squeeze %dma_wait3A_422 : memref<1x256x64xf32, #tpu.memory_space<vmem>> -> memref<256x64xf32, #tpu.memory_space<vmem>>
        tpu.wait_dma2 semaphore(%arg12 : memref<!tpu.dma_semaphore, #tpu.memory_space<semaphore_mem>>) src(%dma_wait3A_423 : memref<256x64xf32, #tpu.memory_space<vmem>>) dst(%dma_wait3A_419 : memref<256x64xf32, #tpu.memory_space<hbm>>)
      } else {
      }
      %parallel_loop3A_312 = arith.constant 0 : i32
      %parallel_loop3A_313 = arith.constant 256 : i32
      %parallel_loop3A_314 = arith.constant 1 : i32
      %parallel_loop3A_315 = arith.constant 2 : i32
      %parallel_loop3A_316 = arith.constant 0 : i32
      scf.for %parallel_loop3A_407 = %parallel_loop3A_312 to %parallel_loop3A_313 step %parallel_loop3A_314  : i32 {
        %parallel_loop3A_408 = arith.constant 0 : i32
        %parallel_loop3A_409 = arith.constant 0 : i32
        %parallel_loop3A_410 = tpu.memref_slice %arg6[%parallel_loop3A_315, %parallel_loop3A_408, %parallel_loop3A_409] : memref<4x256x64xf32, #tpu.memory_space<vmem>> -> memref<1x256x64xf32, #tpu.memory_space<vmem>>
        %parallel_loop3A_411 = tpu.memref_squeeze %parallel_loop3A_410 : memref<1x256x64xf32, #tpu.memory_space<vmem>> -> memref<256x64xf32, #tpu.memory_space<vmem>>
        %parallel_loop3A_412 = arith.index_cast %parallel_loop3A_407 : i32 to index
        %parallel_loop3A_413 = arith.constant 0 : index
        %parallel_loop3A_414 = tpu.vector_load %parallel_loop3A_411[%parallel_loop3A_412, %parallel_loop3A_413] {strides = array<i32>} : memref<256x64xf32, #tpu.memory_space<vmem>>, vector<1x16xf32>,
        %parallel_loop3A_415 = vector.shape_cast %parallel_loop3A_414 : vector<1x16xf32> to vector<16xf32>
        %parallel_loop3A_416 = arith.constant 8.000000e+00 : f32
        %parallel_loop3A_417 = vector.broadcast %parallel_loop3A_416 : f32 to vector<16xf32>
        %parallel_loop3A_418 = arith.mulf %parallel_loop3A_415, %parallel_loop3A_417 : vector<16xf32>
        %parallel_loop3A_419 = arith.constant 0 : i32
        %parallel_loop3A_420 = arith.constant 0 : i32
        %parallel_loop3A_421 = tpu.memref_slice %arg7[%parallel_loop3A_316, %parallel_loop3A_419, %parallel_loop3A_420] : memref<2x256x64xf32, #tpu.memory_space<vmem>> -> memref<1x256x64xf32, #tpu.memory_space<vmem>>
        %parallel_loop3A_422 = tpu.memref_squeeze %parallel_loop3A_421 : memref<1x256x64xf32, #tpu.memory_space<vmem>> -> memref<256x64xf32, #tpu.memory_space<vmem>>
        %parallel_loop3A_423 = arith.index_cast %parallel_loop3A_407 : i32 to index
        %parallel_loop3A_424 = arith.constant 0 : index
        %parallel_loop3A_425 = tpu.vector_load %parallel_loop3A_422[%parallel_loop3A_423, %parallel_loop3A_424] {strides = array<i32>} : memref<256x64xf32, #tpu.memory_space<vmem>>, vector<1x16xf32>,
        %parallel_loop3A_426 = vector.shape_cast %parallel_loop3A_425 : vector<1x16xf32> to vector<16xf32>
        %parallel_loop3A_427 = vector.shape_cast %parallel_loop3A_418 : vector<16xf32> to vector<1x16xf32>
        tpu.vector_store %parallel_loop3A_422[%parallel_loop3A_423, %parallel_loop3A_424], %parallel_loop3A_427 {strides = array<i32>} : memref<256x64xf32, #tpu.memory_space<vmem>>, vector<1x16xf32>,
        %parallel_loop3A_428 = arith.constant 0 : i32
        %parallel_loop3A_429 = arith.constant 0 : i32
        %parallel_loop3A_430 = tpu.memref_slice %arg6[%parallel_loop3A_315, %parallel_loop3A_428, %parallel_loop3A_429] : memref<4x256x64xf32, #tpu.memory_space<vmem>> -> memref<1x256x64xf32, #tpu.memory_space<vmem>>
        %parallel_loop3A_431 = tpu.memref_squeeze %parallel_loop3A_430 : memref<1x256x64xf32, #tpu.memory_space<vmem>> -> memref<256x64xf32, #tpu.memory_space<vmem>>
        %parallel_loop3A_432 = arith.index_cast %parallel_loop3A_407 : i32 to index
        %parallel_loop3A_433 = arith.constant 16 : index
        %parallel_loop3A_434 = tpu.vector_load %parallel_loop3A_431[%parallel_loop3A_432, %parallel_loop3A_433] {strides = array<i32>} : memref<256x64xf32, #tpu.memory_space<vmem>>, vector<1x16xf32>,
        %parallel_loop3A_435 = vector.shape_cast %parallel_loop3A_434 : vector<1x16xf32> to vector<16xf32>
        %parallel_loop3A_436 = arith.constant 8.000000e+00 : f32
        %parallel_loop3A_437 = vector.broadcast %parallel_loop3A_436 : f32 to vector<16xf32>
        %parallel_loop3A_438 = arith.mulf %parallel_loop3A_435, %parallel_loop3A_437 : vector<16xf32>
        %parallel_loop3A_439 = arith.constant 0 : i32
        %parallel_loop3A_440 = arith.constant 0 : i32
        %parallel_loop3A_441 = tpu.memref_slice %arg7[%parallel_loop3A_316, %parallel_loop3A_439, %parallel_loop3A_440] : memref<2x256x64xf32, #tpu.memory_space<vmem>> -> memref<1x256x64xf32, #tpu.memory_space<vmem>>
        %parallel_loop3A_442 = tpu.memref_squeeze %parallel_loop3A_441 : memref<1x256x64xf32, #tpu.memory_space<vmem>> -> memref<256x64xf32, #tpu.memory_space<vmem>>
        %parallel_loop3A_443 = arith.index_cast %parallel_loop3A_407 : i32 to index
        %parallel_loop3A_444 = arith.constant 16 : index
        %parallel_loop3A_445 = tpu.vector_load %parallel_loop3A_442[%parallel_loop3A_443, %parallel_loop3A_444] {strides = array<i32>} : memref<256x64xf32, #tpu.memory_space<vmem>>, vector<1x16xf32>,
        %parallel_loop3A_446 = vector.shape_cast %parallel_loop3A_445 : vector<1x16xf32> to vector<16xf32>
        %parallel_loop3A_447 = vector.shape_cast %parallel_loop3A_438 : vector<16xf32> to vector<1x16xf32>
        tpu.vector_store %parallel_loop3A_442[%parallel_loop3A_443, %parallel_loop3A_444], %parallel_loop3A_447 {strides = array<i32>} : memref<256x64xf32, #tpu.memory_space<vmem>>, vector<1x16xf32>,
        %parallel_loop3A_448 = arith.constant 0 : i32
        %parallel_loop3A_449 = arith.constant 0 : i32
        %parallel_loop3A_450 = tpu.memref_slice %arg6[%parallel_loop3A_315, %parallel_loop3A_448, %parallel_loop3A_449] : memref<4x256x64xf32, #tpu.memory_space<vmem>> -> memref<1x256x64xf32, #tpu.memory_space<vmem>>
        %parallel_loop3A_451 = tpu.memref_squeeze %parallel_loop3A_450 : memref<1x256x64xf32, #tpu.memory_space<vmem>> -> memref<256x64xf32, #tpu.memory_space<vmem>>
        %parallel_loop3A_452 = arith.index_cast %parallel_loop3A_407 : i32 to index
        %parallel_loop3A_453 = arith.constant 32 : index
        %parallel_loop3A_454 = tpu.vector_load %parallel_loop3A_451[%parallel_loop3A_452, %parallel_loop3A_453] {strides = array<i32>} : memref<256x64xf32, #tpu.memory_space<vmem>>, vector<1x16xf32>,
        %parallel_loop3A_455 = vector.shape_cast %parallel_loop3A_454 : vector<1x16xf32> to vector<16xf32>
        %parallel_loop3A_456 = arith.constant 8.000000e+00 : f32
        %parallel_loop3A_457 = vector.broadcast %parallel_loop3A_456 : f32 to vector<16xf32>
        %parallel_loop3A_458 = arith.mulf %parallel_loop3A_455, %parallel_loop3A_457 : vector<16xf32>
        %parallel_loop3A_459 = arith.constant 0 : i32
        %parallel_loop3A_460 = arith.constant 0 : i32
        %parallel_loop3A_461 = tpu.memref_slice %arg7[%parallel_loop3A_316, %parallel_loop3A_459, %parallel_loop3A_460] : memref<2x256x64xf32, #tpu.memory_space<vmem>> -> memref<1x256x64xf32, #tpu.memory_space<vmem>>
        %parallel_loop3A_462 = tpu.memref_squeeze %parallel_loop3A_461 : memref<1x256x64xf32, #tpu.memory_space<vmem>> -> memref<256x64xf32, #tpu.memory_space<vmem>>
        %parallel_loop3A_463 = arith.index_cast %parallel_loop3A_407 : i32 to index
        %parallel_loop3A_464 = arith.constant 32 : index
        %parallel_loop3A_465 = tpu.vector_load %parallel_loop3A_462[%parallel_loop3A_463, %parallel_loop3A_464] {strides = array<i32>} : memref<256x64xf32, #tpu.memory_space<vmem>>, vector<1x16xf32>,
        %parallel_loop3A_466 = vector.shape_cast %parallel_loop3A_465 : vector<1x16xf32> to vector<16xf32>
        %parallel_loop3A_467 = vector.shape_cast %parallel_loop3A_458 : vector<16xf32> to vector<1x16xf32>
        tpu.vector_store %parallel_loop3A_462[%parallel_loop3A_463, %parallel_loop3A_464], %parallel_loop3A_467 {strides = array<i32>} : memref<256x64xf32, #tpu.memory_space<vmem>>, vector<1x16xf32>,
        %parallel_loop3A_468 = arith.constant 0 : i32
        %parallel_loop3A_469 = arith.constant 0 : i32
        %parallel_loop3A_470 = tpu.memref_slice %arg6[%parallel_loop3A_315, %parallel_loop3A_468, %parallel_loop3A_469] : memref<4x256x64xf32, #tpu.memory_space<vmem>> -> memref<1x256x64xf32, #tpu.memory_space<vmem>>
        %parallel_loop3A_471 = tpu.memref_squeeze %parallel_loop3A_470 : memref<1x256x64xf32, #tpu.memory_space<vmem>> -> memref<256x64xf32, #tpu.memory_space<vmem>>
        %parallel_loop3A_472 = arith.index_cast %parallel_loop3A_407 : i32 to index
        %parallel_loop3A_473 = arith.constant 48 : index
        %parallel_loop3A_474 = tpu.vector_load %parallel_loop3A_471[%parallel_loop3A_472, %parallel_loop3A_473] {strides = array<i32>} : memref<256x64xf32, #tpu.memory_space<vmem>>, vector<1x16xf32>,
        %parallel_loop3A_475 = vector.shape_cast %parallel_loop3A_474 : vector<1x16xf32> to vector<16xf32>
        %parallel_loop3A_476 = arith.constant 8.000000e+00 : f32
        %parallel_loop3A_477 = vector.broadcast %parallel_loop3A_476 : f32 to vector<16xf32>
        %parallel_loop3A_478 = arith.mulf %parallel_loop3A_475, %parallel_loop3A_477 : vector<16xf32>
        %parallel_loop3A_479 = arith.constant 0 : i32
        %parallel_loop3A_480 = arith.constant 0 : i32
        %parallel_loop3A_481 = tpu.memref_slice %arg7[%parallel_loop3A_316, %parallel_loop3A_479, %parallel_loop3A_480] : memref<2x256x64xf32, #tpu.memory_space<vmem>> -> memref<1x256x64xf32, #tpu.memory_space<vmem>>
        %parallel_loop3A_482 = tpu.memref_squeeze %parallel_loop3A_481 : memref<1x256x64xf32, #tpu.memory_space<vmem>> -> memref<256x64xf32, #tpu.memory_space<vmem>>
        %parallel_loop3A_483 = arith.index_cast %parallel_loop3A_407 : i32 to index
        %parallel_loop3A_484 = arith.constant 48 : index
        %parallel_loop3A_485 = tpu.vector_load %parallel_loop3A_482[%parallel_loop3A_483, %parallel_loop3A_484] {strides = array<i32>} : memref<256x64xf32, #tpu.memory_space<vmem>>, vector<1x16xf32>,
        %parallel_loop3A_486 = vector.shape_cast %parallel_loop3A_485 : vector<1x16xf32> to vector<16xf32>
        %parallel_loop3A_487 = vector.shape_cast %parallel_loop3A_478 : vector<16xf32> to vector<1x16xf32>
        tpu.vector_store %parallel_loop3A_482[%parallel_loop3A_483, %parallel_loop3A_484], %parallel_loop3A_487 {strides = array<i32>} : memref<256x64xf32, #tpu.memory_space<vmem>>, vector<1x16xf32>,
      } {sc.loop_unroll_factor = 8 : i64, sc.parallel_access}
      %mul3A_317 = arith.constant 256 : i32
      %mul3A_318 = arith.muli %add3A_274, %mul3A_317 : i32
      %add3A_319 = arith.addi %mul3A_2, %mul3A_318 : i32
      %dma_start3A_320 = arith.constant 0 : i32
      %dma_start3A_321 = arith.constant 0 : i32
      %dma_start3A_322 = arith.constant 0 : i32
      %dma_start3A_323 = tpu.memref_slice %arg7[%dma_start3A_320, %dma_start3A_321, %dma_start3A_322] : memref<2x256x64xf32, #tpu.memory_space<vmem>> -> memref<1x256x64xf32, #tpu.memory_space<vmem>>
      %dma_start3A_324 = tpu.memref_squeeze %dma_start3A_323 : memref<1x256x64xf32, #tpu.memory_space<vmem>> -> memref<256x64xf32, #tpu.memory_space<vmem>>
      %dma_start3A_325 = arith.constant 0 : i32
      %dma_start3A_326 = tpu.memref_slice %arg4[%add3A_319, %dma_start3A_325] : memref<819200x64xf32, #tpu.memory_space<hbm>> -> memref<256x64xf32, #tpu.memory_space<hbm>>
      %dma_start3A_327 = arith.constant 0 : i32
      %dma_start3A_328 = tpu.memref_slice %arg4[%add3A_319, %dma_start3A_327] : memref<819200x64xf32, #tpu.memory_space<hbm>> -> memref<256x64xf32, #tpu.memory_space<hbm>>
      %dma_start3A_329 = arith.constant 0 : i32
      %dma_start3A_330 = arith.constant 0 : i32
      %dma_start3A_331 = tpu.memref_slice %arg7[%dma_start3A_320, %dma_start3A_329, %dma_start3A_330] : memref<2x256x64xf32, #tpu.memory_space<vmem>> -> memref<1x256x64xf32, #tpu.memory_space<vmem>>
      %dma_start3A_332 = tpu.memref_squeeze %dma_start3A_331 : memref<1x256x64xf32, #tpu.memory_space<vmem>> -> memref<256x64xf32, #tpu.memory_space<vmem>>
      tpu.enqueue_dma source(%dma_start3A_332 : memref<256x64xf32, #tpu.memory_space<vmem>>) target(%dma_start3A_328 : memref<256x64xf32, #tpu.memory_space<hbm>>) target_semaphore(%arg12 : memref<!tpu.dma_semaphore, #tpu.memory_space<semaphore_mem>>)
      %add3A_333 = arith.constant 4 : i32
      %add3A_334 = arith.addi %add3A_274, %add3A_333 : i32
      %lt3A_335 = arith.constant 100 : i32
      %lt3A_336 = arith.cmpi slt, %add3A_334, %lt3A_335 : i32
      %convert_element_type3A_337 = arith.extui %lt3A_336 : i1 to i32
      %cond3A_338 = arith.constant 0 : i32
      %cond3A_339 = arith.cmpi ne, %convert_element_type3A_337, %cond3A_338 : i32
      scf.if %cond3A_339 {
        %add3A_407 = arith.constant 4 : i32
        %add3A_408 = arith.addi %add3A_274, %add3A_407 : i32
        %mul3A_409 = arith.constant 256 : i32
        %mul3A_410 = arith.muli %add3A_408, %mul3A_409 : i32
        %add3A_411 = arith.constant 0 : i32
        %add3A_412 = arith.addi %mul3A_410, %add3A_411 : i32
        %dma_start3A_413 = arith.constant 2 : i32
        %dma_start3A_414 = arith.constant 0 : i32
        %dma_start3A_415 = arith.constant 0 : i32
        %dma_start3A_416 = tpu.memref_slice %arg6[%dma_start3A_413, %dma_start3A_414, %dma_start3A_415] : memref<4x256x64xf32, #tpu.memory_space<vmem>> -> memref<1x256x64xf32, #tpu.memory_space<vmem>>
        %dma_start3A_417 = tpu.memref_squeeze %dma_start3A_416 : memref<1x256x64xf32, #tpu.memory_space<vmem>> -> memref<256x64xf32, #tpu.memory_space<vmem>>
        %dma_start3A_418 = arith.constant 0 : i32
        %dma_start3A_419 = arith.constant 0 : i32
        %dma_start3A_420 = tpu.memref_slice %dma_start3A_417[%dma_start3A_418, %dma_start3A_419] : memref<256x64xf32, #tpu.memory_space<vmem>> -> memref<128x64xf32, #tpu.memory_space<vmem>>
        %dma_start3A_421 = tpu.memref_slice %arg5[%add3A_412] : memref<25600xi32, #tpu.memory_space<vmem>> -> memref<128xi32, #tpu.memory_space<vmem>>
        %dma_start3A_422 = arith.constant 0 : i32
        %dma_start3A_423 = arith.constant 0 : i32
        %dma_start3A_424 = tpu.memref_slice %arg3[%dma_start3A_422, %dma_start3A_423] : memref<1000000x64xf32, #tpu.memory_space<hbm>> -> memref<1000000x64xf32, #tpu.memory_space<hbm>>
        tpu.enqueue_indirect_dma source(%dma_start3A_424 : memref<1000000x64xf32, #tpu.memory_space<hbm>>) target(%dma_start3A_420 : memref<128x64xf32, #tpu.memory_space<vmem>>) offsets(%dma_start3A_421 : memref<128xi32, #tpu.memory_space<vmem>>) semaphore(%arg10 : memref<!tpu.dma_semaphore, #tpu.memory_space<semaphore_mem>>)
        %mul3A_425 = arith.constant 256 : i32
        %mul3A_426 = arith.muli %add3A_408, %mul3A_425 : i32
        %add3A_427 = arith.constant 128 : i32
        %add3A_428 = arith.addi %mul3A_426, %add3A_427 : i32
        %dma_start3A_429 = arith.constant 2 : i32
        %dma_start3A_430 = arith.constant 0 : i32
        %dma_start3A_431 = arith.constant 0 : i32
        %dma_start3A_432 = tpu.memref_slice %arg6[%dma_start3A_429, %dma_start3A_430, %dma_start3A_431] : memref<4x256x64xf32, #tpu.memory_space<vmem>> -> memref<1x256x64xf32, #tpu.memory_space<vmem>>
        %dma_start3A_433 = tpu.memref_squeeze %dma_start3A_432 : memref<1x256x64xf32, #tpu.memory_space<vmem>> -> memref<256x64xf32, #tpu.memory_space<vmem>>
        %dma_start3A_434 = arith.constant 128 : i32
        %dma_start3A_435 = arith.constant 0 : i32
        %dma_start3A_436 = tpu.memref_slice %dma_start3A_433[%dma_start3A_434, %dma_start3A_435] : memref<256x64xf32, #tpu.memory_space<vmem>> -> memref<128x64xf32, #tpu.memory_space<vmem>>
        %dma_start3A_437 = tpu.memref_slice %arg5[%add3A_428] : memref<25600xi32, #tpu.memory_space<vmem>> -> memref<128xi32, #tpu.memory_space<vmem>>
        %dma_start3A_438 = arith.constant 0 : i32
        %dma_start3A_439 = arith.constant 0 : i32
        %dma_start3A_440 = tpu.memref_slice %arg3[%dma_start3A_438, %dma_start3A_439] : memref<1000000x64xf32, #tpu.memory_space<hbm>> -> memref<1000000x64xf32, #tpu.memory_space<hbm>>
        tpu.enqueue_indirect_dma source(%dma_start3A_440 : memref<1000000x64xf32, #tpu.memory_space<hbm>>) target(%dma_start3A_436 : memref<128x64xf32, #tpu.memory_space<vmem>>) offsets(%dma_start3A_437 : memref<128xi32, #tpu.memory_space<vmem>>) semaphore(%arg10 : memref<!tpu.dma_semaphore, #tpu.memory_space<semaphore_mem>>)
      } else {
      }
      %add3A_340 = arith.constant 3 : i32
      %add3A_341 = arith.addi %add3A_143, %add3A_340 : i32
      %mul3A_342 = arith.constant 256 : i32
      %mul3A_343 = arith.muli %add3A_341, %mul3A_342 : i32
      %add3A_344 = arith.constant 0 : i32
      %add3A_345 = arith.addi %mul3A_343, %add3A_344 : i32
      %dma_wait3A_346 = arith.constant 3 : i32
      %dma_wait3A_347 = arith.constant 0 : i32
      %dma_wait3A_348 = arith.constant 0 : i32
      %dma_wait3A_349 = tpu.memref_slice %arg6[%dma_wait3A_346, %dma_wait3A_347, %dma_wait3A_348] : memref<4x256x64xf32, #tpu.memory_space<vmem>> -> memref<1x256x64xf32, #tpu.memory_space<vmem>>
      %dma_wait3A_350 = tpu.memref_squeeze %dma_wait3A_349 : memref<1x256x64xf32, #tpu.memory_space<vmem>> -> memref<256x64xf32, #tpu.memory_space<vmem>>
      %dma_wait3A_351 = arith.constant 0 : i32
      %dma_wait3A_352 = arith.constant 0 : i32
      %dma_wait3A_353 = tpu.memref_slice %dma_wait3A_350[%dma_wait3A_351, %dma_wait3A_352] : memref<256x64xf32, #tpu.memory_space<vmem>> -> memref<128x64xf32, #tpu.memory_space<vmem>>
      %dma_wait3A_354 = tpu.memref_slice %arg5[%add3A_345] : memref<25600xi32, #tpu.memory_space<vmem>> -> memref<128xi32, #tpu.memory_space<vmem>>
      %dma_wait3A_355 = arith.constant 0 : i32
      %dma_wait3A_356 = arith.constant 0 : i32
      %dma_wait3A_357 = tpu.memref_slice %arg3[%dma_wait3A_355, %dma_wait3A_356] : memref<1000000x64xf32, #tpu.memory_space<hbm>> -> memref<1000000x64xf32, #tpu.memory_space<hbm>>
      tpu.wait_indirect_dma semaphore(%arg11 : memref<!tpu.dma_semaphore, #tpu.memory_space<semaphore_mem>>) src(%dma_wait3A_357 : memref<1000000x64xf32, #tpu.memory_space<hbm>>) dst(%dma_wait3A_353 : memref<128x64xf32, #tpu.memory_space<vmem>>)
      %mul3A_358 = arith.constant 256 : i32
      %mul3A_359 = arith.muli %add3A_341, %mul3A_358 : i32
      %add3A_360 = arith.constant 128 : i32
      %add3A_361 = arith.addi %mul3A_359, %add3A_360 : i32
      %dma_wait3A_362 = arith.constant 3 : i32
      %dma_wait3A_363 = arith.constant 0 : i32
      %dma_wait3A_364 = arith.constant 0 : i32
      %dma_wait3A_365 = tpu.memref_slice %arg6[%dma_wait3A_362, %dma_wait3A_363, %dma_wait3A_364] : memref<4x256x64xf32, #tpu.memory_space<vmem>> -> memref<1x256x64xf32, #tpu.memory_space<vmem>>
      %dma_wait3A_366 = tpu.memref_squeeze %dma_wait3A_365 : memref<1x256x64xf32, #tpu.memory_space<vmem>> -> memref<256x64xf32, #tpu.memory_space<vmem>>
      %dma_wait3A_367 = arith.constant 128 : i32
      %dma_wait3A_368 = arith.constant 0 : i32
      %dma_wait3A_369 = tpu.memref_slice %dma_wait3A_366[%dma_wait3A_367, %dma_wait3A_368] : memref<256x64xf32, #tpu.memory_space<vmem>> -> memref<128x64xf32, #tpu.memory_space<vmem>>
      %dma_wait3A_370 = tpu.memref_slice %arg5[%add3A_361] : memref<25600xi32, #tpu.memory_space<vmem>> -> memref<128xi32, #tpu.memory_space<vmem>>
      %dma_wait3A_371 = arith.constant 0 : i32
      %dma_wait3A_372 = arith.constant 0 : i32
      %dma_wait3A_373 = tpu.memref_slice %arg3[%dma_wait3A_371, %dma_wait3A_372] : memref<1000000x64xf32, #tpu.memory_space<hbm>> -> memref<1000000x64xf32, #tpu.memory_space<hbm>>
      tpu.wait_indirect_dma semaphore(%arg11 : memref<!tpu.dma_semaphore, #tpu.memory_space<semaphore_mem>>) src(%dma_wait3A_373 : memref<1000000x64xf32, #tpu.memory_space<hbm>>) dst(%dma_wait3A_369 : memref<128x64xf32, #tpu.memory_space<vmem>>)
      %ge3A_374 = arith.constant 2 : i32
      %ge3A_375 = arith.cmpi sge, %add3A_341, %ge3A_374 : i32
      %convert_element_type3A_376 = arith.extui %ge3A_375 : i1 to i32
      %cond3A_377 = arith.constant 0 : i32
      %cond3A_378 = arith.cmpi ne, %convert_element_type3A_376, %cond3A_377 : i32
      scf.if %cond3A_378 {
        %sub3A = arith.constant 2 : i32
        %sub3A_407 = arith.subi %add3A_341, %sub3A : i32
        %mul3A_408 = arith.constant 256 : i32
        %mul3A_409 = arith.muli %sub3A_407, %mul3A_408 : i32
        %add3A_410 = arith.addi %mul3A_2, %mul3A_409 : i32
        %dma_wait3A_411 = arith.constant 1 : i32
        %dma_wait3A_412 = arith.constant 0 : i32
        %dma_wait3A_413 = arith.constant 0 : i32
        %dma_wait3A_414 = tpu.memref_slice %arg7[%dma_wait3A_411, %dma_wait3A_412, %dma_wait3A_413] : memref<2x256x64xf32, #tpu.memory_space<vmem>> -> memref<1x256x64xf32, #tpu.memory_space<vmem>>
        %dma_wait3A_415 = tpu.memref_squeeze %dma_wait3A_414 : memref<1x256x64xf32, #tpu.memory_space<vmem>> -> memref<256x64xf32, #tpu.memory_space<vmem>>
        %dma_wait3A_416 = arith.constant 0 : i32
        %dma_wait3A_417 = tpu.memref_slice %arg4[%add3A_410, %dma_wait3A_416] : memref<819200x64xf32, #tpu.memory_space<hbm>> -> memref<256x64xf32, #tpu.memory_space<hbm>>
        %dma_wait3A_418 = arith.constant 0 : i32
        %dma_wait3A_419 = tpu.memref_slice %arg4[%add3A_410, %dma_wait3A_418] : memref<819200x64xf32, #tpu.memory_space<hbm>> -> memref<256x64xf32, #tpu.memory_space<hbm>>
        %dma_wait3A_420 = arith.constant 0 : i32
        %dma_wait3A_421 = arith.constant 0 : i32
        %dma_wait3A_422 = tpu.memref_slice %arg7[%dma_wait3A_411, %dma_wait3A_420, %dma_wait3A_421] : memref<2x256x64xf32, #tpu.memory_space<vmem>> -> memref<1x256x64xf32, #tpu.memory_space<vmem>>
        %dma_wait3A_423 = tpu.memref_squeeze %dma_wait3A_422 : memref<1x256x64xf32, #tpu.memory_space<vmem>> -> memref<256x64xf32, #tpu.memory_space<vmem>>
        tpu.wait_dma2 semaphore(%arg13 : memref<!tpu.dma_semaphore, #tpu.memory_space<semaphore_mem>>) src(%dma_wait3A_423 : memref<256x64xf32, #tpu.memory_space<vmem>>) dst(%dma_wait3A_419 : memref<256x64xf32, #tpu.memory_space<hbm>>)
      } else {
      }
      %parallel_loop3A_379 = arith.constant 0 : i32
      %parallel_loop3A_380 = arith.constant 256 : i32
      %parallel_loop3A_381 = arith.constant 1 : i32
      %parallel_loop3A_382 = arith.constant 3 : i32
      %parallel_loop3A_383 = arith.constant 1 : i32
      scf.for %parallel_loop3A_407 = %parallel_loop3A_379 to %parallel_loop3A_380 step %parallel_loop3A_381  : i32 {
        %parallel_loop3A_408 = arith.constant 0 : i32
        %parallel_loop3A_409 = arith.constant 0 : i32
        %parallel_loop3A_410 = tpu.memref_slice %arg6[%parallel_loop3A_382, %parallel_loop3A_408, %parallel_loop3A_409] : memref<4x256x64xf32, #tpu.memory_space<vmem>> -> memref<1x256x64xf32, #tpu.memory_space<vmem>>
        %parallel_loop3A_411 = tpu.memref_squeeze %parallel_loop3A_410 : memref<1x256x64xf32, #tpu.memory_space<vmem>> -> memref<256x64xf32, #tpu.memory_space<vmem>>
        %parallel_loop3A_412 = arith.index_cast %parallel_loop3A_407 : i32 to index
        %parallel_loop3A_413 = arith.constant 0 : index
        %parallel_loop3A_414 = tpu.vector_load %parallel_loop3A_411[%parallel_loop3A_412, %parallel_loop3A_413] {strides = array<i32>} : memref<256x64xf32, #tpu.memory_space<vmem>>, vector<1x16xf32>,
        %parallel_loop3A_415 = vector.shape_cast %parallel_loop3A_414 : vector<1x16xf32> to vector<16xf32>
        %parallel_loop3A_416 = arith.constant 8.000000e+00 : f32
        %parallel_loop3A_417 = vector.broadcast %parallel_loop3A_416 : f32 to vector<16xf32>
        %parallel_loop3A_418 = arith.mulf %parallel_loop3A_415, %parallel_loop3A_417 : vector<16xf32>
        %parallel_loop3A_419 = arith.constant 0 : i32
        %parallel_loop3A_420 = arith.constant 0 : i32
        %parallel_loop3A_421 = tpu.memref_slice %arg7[%parallel_loop3A_383, %parallel_loop3A_419, %parallel_loop3A_420] : memref<2x256x64xf32, #tpu.memory_space<vmem>> -> memref<1x256x64xf32, #tpu.memory_space<vmem>>
        %parallel_loop3A_422 = tpu.memref_squeeze %parallel_loop3A_421 : memref<1x256x64xf32, #tpu.memory_space<vmem>> -> memref<256x64xf32, #tpu.memory_space<vmem>>
        %parallel_loop3A_423 = arith.index_cast %parallel_loop3A_407 : i32 to index
        %parallel_loop3A_424 = arith.constant 0 : index
        %parallel_loop3A_425 = tpu.vector_load %parallel_loop3A_422[%parallel_loop3A_423, %parallel_loop3A_424] {strides = array<i32>} : memref<256x64xf32, #tpu.memory_space<vmem>>, vector<1x16xf32>,
        %parallel_loop3A_426 = vector.shape_cast %parallel_loop3A_425 : vector<1x16xf32> to vector<16xf32>
        %parallel_loop3A_427 = vector.shape_cast %parallel_loop3A_418 : vector<16xf32> to vector<1x16xf32>
        tpu.vector_store %parallel_loop3A_422[%parallel_loop3A_423, %parallel_loop3A_424], %parallel_loop3A_427 {strides = array<i32>} : memref<256x64xf32, #tpu.memory_space<vmem>>, vector<1x16xf32>,
        %parallel_loop3A_428 = arith.constant 0 : i32
        %parallel_loop3A_429 = arith.constant 0 : i32
        %parallel_loop3A_430 = tpu.memref_slice %arg6[%parallel_loop3A_382, %parallel_loop3A_428, %parallel_loop3A_429] : memref<4x256x64xf32, #tpu.memory_space<vmem>> -> memref<1x256x64xf32, #tpu.memory_space<vmem>>
        %parallel_loop3A_431 = tpu.memref_squeeze %parallel_loop3A_430 : memref<1x256x64xf32, #tpu.memory_space<vmem>> -> memref<256x64xf32, #tpu.memory_space<vmem>>
        %parallel_loop3A_432 = arith.index_cast %parallel_loop3A_407 : i32 to index
        %parallel_loop3A_433 = arith.constant 16 : index
        %parallel_loop3A_434 = tpu.vector_load %parallel_loop3A_431[%parallel_loop3A_432, %parallel_loop3A_433] {strides = array<i32>} : memref<256x64xf32, #tpu.memory_space<vmem>>, vector<1x16xf32>,
        %parallel_loop3A_435 = vector.shape_cast %parallel_loop3A_434 : vector<1x16xf32> to vector<16xf32>
        %parallel_loop3A_436 = arith.constant 8.000000e+00 : f32
        %parallel_loop3A_437 = vector.broadcast %parallel_loop3A_436 : f32 to vector<16xf32>
        %parallel_loop3A_438 = arith.mulf %parallel_loop3A_435, %parallel_loop3A_437 : vector<16xf32>
        %parallel_loop3A_439 = arith.constant 0 : i32
        %parallel_loop3A_440 = arith.constant 0 : i32
        %parallel_loop3A_441 = tpu.memref_slice %arg7[%parallel_loop3A_383, %parallel_loop3A_439, %parallel_loop3A_440] : memref<2x256x64xf32, #tpu.memory_space<vmem>> -> memref<1x256x64xf32, #tpu.memory_space<vmem>>
        %parallel_loop3A_442 = tpu.memref_squeeze %parallel_loop3A_441 : memref<1x256x64xf32, #tpu.memory_space<vmem>> -> memref<256x64xf32, #tpu.memory_space<vmem>>
        %parallel_loop3A_443 = arith.index_cast %parallel_loop3A_407 : i32 to index
        %parallel_loop3A_444 = arith.constant 16 : index
        %parallel_loop3A_445 = tpu.vector_load %parallel_loop3A_442[%parallel_loop3A_443, %parallel_loop3A_444] {strides = array<i32>} : memref<256x64xf32, #tpu.memory_space<vmem>>, vector<1x16xf32>,
        %parallel_loop3A_446 = vector.shape_cast %parallel_loop3A_445 : vector<1x16xf32> to vector<16xf32>
        %parallel_loop3A_447 = vector.shape_cast %parallel_loop3A_438 : vector<16xf32> to vector<1x16xf32>
        tpu.vector_store %parallel_loop3A_442[%parallel_loop3A_443, %parallel_loop3A_444], %parallel_loop3A_447 {strides = array<i32>} : memref<256x64xf32, #tpu.memory_space<vmem>>, vector<1x16xf32>,
        %parallel_loop3A_448 = arith.constant 0 : i32
        %parallel_loop3A_449 = arith.constant 0 : i32
        %parallel_loop3A_450 = tpu.memref_slice %arg6[%parallel_loop3A_382, %parallel_loop3A_448, %parallel_loop3A_449] : memref<4x256x64xf32, #tpu.memory_space<vmem>> -> memref<1x256x64xf32, #tpu.memory_space<vmem>>
        %parallel_loop3A_451 = tpu.memref_squeeze %parallel_loop3A_450 : memref<1x256x64xf32, #tpu.memory_space<vmem>> -> memref<256x64xf32, #tpu.memory_space<vmem>>
        %parallel_loop3A_452 = arith.index_cast %parallel_loop3A_407 : i32 to index
        %parallel_loop3A_453 = arith.constant 32 : index
        %parallel_loop3A_454 = tpu.vector_load %parallel_loop3A_451[%parallel_loop3A_452, %parallel_loop3A_453] {strides = array<i32>} : memref<256x64xf32, #tpu.memory_space<vmem>>, vector<1x16xf32>,
        %parallel_loop3A_455 = vector.shape_cast %parallel_loop3A_454 : vector<1x16xf32> to vector<16xf32>
        %parallel_loop3A_456 = arith.constant 8.000000e+00 : f32
        %parallel_loop3A_457 = vector.broadcast %parallel_loop3A_456 : f32 to vector<16xf32>
        %parallel_loop3A_458 = arith.mulf %parallel_loop3A_455, %parallel_loop3A_457 : vector<16xf32>
        %parallel_loop3A_459 = arith.constant 0 : i32
        %parallel_loop3A_460 = arith.constant 0 : i32
        %parallel_loop3A_461 = tpu.memref_slice %arg7[%parallel_loop3A_383, %parallel_loop3A_459, %parallel_loop3A_460] : memref<2x256x64xf32, #tpu.memory_space<vmem>> -> memref<1x256x64xf32, #tpu.memory_space<vmem>>
        %parallel_loop3A_462 = tpu.memref_squeeze %parallel_loop3A_461 : memref<1x256x64xf32, #tpu.memory_space<vmem>> -> memref<256x64xf32, #tpu.memory_space<vmem>>
        %parallel_loop3A_463 = arith.index_cast %parallel_loop3A_407 : i32 to index
        %parallel_loop3A_464 = arith.constant 32 : index
        %parallel_loop3A_465 = tpu.vector_load %parallel_loop3A_462[%parallel_loop3A_463, %parallel_loop3A_464] {strides = array<i32>} : memref<256x64xf32, #tpu.memory_space<vmem>>, vector<1x16xf32>,
        %parallel_loop3A_466 = vector.shape_cast %parallel_loop3A_465 : vector<1x16xf32> to vector<16xf32>
        %parallel_loop3A_467 = vector.shape_cast %parallel_loop3A_458 : vector<16xf32> to vector<1x16xf32>
        tpu.vector_store %parallel_loop3A_462[%parallel_loop3A_463, %parallel_loop3A_464], %parallel_loop3A_467 {strides = array<i32>} : memref<256x64xf32, #tpu.memory_space<vmem>>, vector<1x16xf32>,
        %parallel_loop3A_468 = arith.constant 0 : i32
        %parallel_loop3A_469 = arith.constant 0 : i32
        %parallel_loop3A_470 = tpu.memref_slice %arg6[%parallel_loop3A_382, %parallel_loop3A_468, %parallel_loop3A_469] : memref<4x256x64xf32, #tpu.memory_space<vmem>> -> memref<1x256x64xf32, #tpu.memory_space<vmem>>
        %parallel_loop3A_471 = tpu.memref_squeeze %parallel_loop3A_470 : memref<1x256x64xf32, #tpu.memory_space<vmem>> -> memref<256x64xf32, #tpu.memory_space<vmem>>
        %parallel_loop3A_472 = arith.index_cast %parallel_loop3A_407 : i32 to index
        %parallel_loop3A_473 = arith.constant 48 : index
        %parallel_loop3A_474 = tpu.vector_load %parallel_loop3A_471[%parallel_loop3A_472, %parallel_loop3A_473] {strides = array<i32>} : memref<256x64xf32, #tpu.memory_space<vmem>>, vector<1x16xf32>,
        %parallel_loop3A_475 = vector.shape_cast %parallel_loop3A_474 : vector<1x16xf32> to vector<16xf32>
        %parallel_loop3A_476 = arith.constant 8.000000e+00 : f32
        %parallel_loop3A_477 = vector.broadcast %parallel_loop3A_476 : f32 to vector<16xf32>
        %parallel_loop3A_478 = arith.mulf %parallel_loop3A_475, %parallel_loop3A_477 : vector<16xf32>
        %parallel_loop3A_479 = arith.constant 0 : i32
        %parallel_loop3A_480 = arith.constant 0 : i32
        %parallel_loop3A_481 = tpu.memref_slice %arg7[%parallel_loop3A_383, %parallel_loop3A_479, %parallel_loop3A_480] : memref<2x256x64xf32, #tpu.memory_space<vmem>> -> memref<1x256x64xf32, #tpu.memory_space<vmem>>
        %parallel_loop3A_482 = tpu.memref_squeeze %parallel_loop3A_481 : memref<1x256x64xf32, #tpu.memory_space<vmem>> -> memref<256x64xf32, #tpu.memory_space<vmem>>
        %parallel_loop3A_483 = arith.index_cast %parallel_loop3A_407 : i32 to index
        %parallel_loop3A_484 = arith.constant 48 : index
        %parallel_loop3A_485 = tpu.vector_load %parallel_loop3A_482[%parallel_loop3A_483, %parallel_loop3A_484] {strides = array<i32>} : memref<256x64xf32, #tpu.memory_space<vmem>>, vector<1x16xf32>,
        %parallel_loop3A_486 = vector.shape_cast %parallel_loop3A_485 : vector<1x16xf32> to vector<16xf32>
        %parallel_loop3A_487 = vector.shape_cast %parallel_loop3A_478 : vector<16xf32> to vector<1x16xf32>
        tpu.vector_store %parallel_loop3A_482[%parallel_loop3A_483, %parallel_loop3A_484], %parallel_loop3A_487 {strides = array<i32>} : memref<256x64xf32, #tpu.memory_space<vmem>>, vector<1x16xf32>,
      } {sc.loop_unroll_factor = 8 : i64, sc.parallel_access}
      %mul3A_384 = arith.constant 256 : i32
      %mul3A_385 = arith.muli %add3A_341, %mul3A_384 : i32
      %add3A_386 = arith.addi %mul3A_2, %mul3A_385 : i32
      %dma_start3A_387 = arith.constant 1 : i32
      %dma_start3A_388 = arith.constant 0 : i32
      %dma_start3A_389 = arith.constant 0 : i32
      %dma_start3A_390 = tpu.memref_slice %arg7[%dma_start3A_387, %dma_start3A_388, %dma_start3A_389] : memref<2x256x64xf32, #tpu.memory_space<vmem>> -> memref<1x256x64xf32, #tpu.memory_space<vmem>>
      %dma_start3A_391 = tpu.memref_squeeze %dma_start3A_390 : memref<1x256x64xf32, #tpu.memory_space<vmem>> -> memref<256x64xf32, #tpu.memory_space<vmem>>
      %dma_start3A_392 = arith.constant 0 : i32
      %dma_start3A_393 = tpu.memref_slice %arg4[%add3A_386, %dma_start3A_392] : memref<819200x64xf32, #tpu.memory_space<hbm>> -> memref<256x64xf32, #tpu.memory_space<hbm>>
      %dma_start3A_394 = arith.constant 0 : i32
      %dma_start3A_395 = tpu.memref_slice %arg4[%add3A_386, %dma_start3A_394] : memref<819200x64xf32, #tpu.memory_space<hbm>> -> memref<256x64xf32, #tpu.memory_space<hbm>>
      %dma_start3A_396 = arith.constant 0 : i32
      %dma_start3A_397 = arith.constant 0 : i32
      %dma_start3A_398 = tpu.memref_slice %arg7[%dma_start3A_387, %dma_start3A_396, %dma_start3A_397] : memref<2x256x64xf32, #tpu.memory_space<vmem>> -> memref<1x256x64xf32, #tpu.memory_space<vmem>>
      %dma_start3A_399 = tpu.memref_squeeze %dma_start3A_398 : memref<1x256x64xf32, #tpu.memory_space<vmem>> -> memref<256x64xf32, #tpu.memory_space<vmem>>
      tpu.enqueue_dma source(%dma_start3A_399 : memref<256x64xf32, #tpu.memory_space<vmem>>) target(%dma_start3A_395 : memref<256x64xf32, #tpu.memory_space<hbm>>) target_semaphore(%arg13 : memref<!tpu.dma_semaphore, #tpu.memory_space<semaphore_mem>>)
      %add3A_400 = arith.constant 4 : i32
      %add3A_401 = arith.addi %add3A_341, %add3A_400 : i32
      %lt3A_402 = arith.constant 100 : i32
      %lt3A_403 = arith.cmpi slt, %add3A_401, %lt3A_402 : i32
      %convert_element_type3A_404 = arith.extui %lt3A_403 : i1 to i32
      %cond3A_405 = arith.constant 0 : i32
      %cond3A_406 = arith.cmpi ne, %convert_element_type3A_404, %cond3A_405 : i32
      scf.if %cond3A_406 {
        %add3A_407 = arith.constant 4 : i32
        %add3A_408 = arith.addi %add3A_341, %add3A_407 : i32
        %mul3A_409 = arith.constant 256 : i32
        %mul3A_410 = arith.muli %add3A_408, %mul3A_409 : i32
        %add3A_411 = arith.constant 0 : i32
        %add3A_412 = arith.addi %mul3A_410, %add3A_411 : i32
        %dma_start3A_413 = arith.constant 3 : i32
        %dma_start3A_414 = arith.constant 0 : i32
        %dma_start3A_415 = arith.constant 0 : i32
        %dma_start3A_416 = tpu.memref_slice %arg6[%dma_start3A_413, %dma_start3A_414, %dma_start3A_415] : memref<4x256x64xf32, #tpu.memory_space<vmem>> -> memref<1x256x64xf32, #tpu.memory_space<vmem>>
        %dma_start3A_417 = tpu.memref_squeeze %dma_start3A_416 : memref<1x256x64xf32, #tpu.memory_space<vmem>> -> memref<256x64xf32, #tpu.memory_space<vmem>>
        %dma_start3A_418 = arith.constant 0 : i32
        %dma_start3A_419 = arith.constant 0 : i32
        %dma_start3A_420 = tpu.memref_slice %dma_start3A_417[%dma_start3A_418, %dma_start3A_419] : memref<256x64xf32, #tpu.memory_space<vmem>> -> memref<128x64xf32, #tpu.memory_space<vmem>>
        %dma_start3A_421 = tpu.memref_slice %arg5[%add3A_412] : memref<25600xi32, #tpu.memory_space<vmem>> -> memref<128xi32, #tpu.memory_space<vmem>>
        %dma_start3A_422 = arith.constant 0 : i32
        %dma_start3A_423 = arith.constant 0 : i32
        %dma_start3A_424 = tpu.memref_slice %arg3[%dma_start3A_422, %dma_start3A_423] : memref<1000000x64xf32, #tpu.memory_space<hbm>> -> memref<1000000x64xf32, #tpu.memory_space<hbm>>
        tpu.enqueue_indirect_dma source(%dma_start3A_424 : memref<1000000x64xf32, #tpu.memory_space<hbm>>) target(%dma_start3A_420 : memref<128x64xf32, #tpu.memory_space<vmem>>) offsets(%dma_start3A_421 : memref<128xi32, #tpu.memory_space<vmem>>) semaphore(%arg11 : memref<!tpu.dma_semaphore, #tpu.memory_space<semaphore_mem>>)
        %mul3A_425 = arith.constant 256 : i32
        %mul3A_426 = arith.muli %add3A_408, %mul3A_425 : i32
        %add3A_427 = arith.constant 128 : i32
        %add3A_428 = arith.addi %mul3A_426, %add3A_427 : i32
        %dma_start3A_429 = arith.constant 3 : i32
        %dma_start3A_430 = arith.constant 0 : i32
        %dma_start3A_431 = arith.constant 0 : i32
        %dma_start3A_432 = tpu.memref_slice %arg6[%dma_start3A_429, %dma_start3A_430, %dma_start3A_431] : memref<4x256x64xf32, #tpu.memory_space<vmem>> -> memref<1x256x64xf32, #tpu.memory_space<vmem>>
        %dma_start3A_433 = tpu.memref_squeeze %dma_start3A_432 : memref<1x256x64xf32, #tpu.memory_space<vmem>> -> memref<256x64xf32, #tpu.memory_space<vmem>>
        %dma_start3A_434 = arith.constant 128 : i32
        %dma_start3A_435 = arith.constant 0 : i32
        %dma_start3A_436 = tpu.memref_slice %dma_start3A_433[%dma_start3A_434, %dma_start3A_435] : memref<256x64xf32, #tpu.memory_space<vmem>> -> memref<128x64xf32, #tpu.memory_space<vmem>>
        %dma_start3A_437 = tpu.memref_slice %arg5[%add3A_428] : memref<25600xi32, #tpu.memory_space<vmem>> -> memref<128xi32, #tpu.memory_space<vmem>>
        %dma_start3A_438 = arith.constant 0 : i32
        %dma_start3A_439 = arith.constant 0 : i32
        %dma_start3A_440 = tpu.memref_slice %arg3[%dma_start3A_438, %dma_start3A_439] : memref<1000000x64xf32, #tpu.memory_space<hbm>> -> memref<1000000x64xf32, #tpu.memory_space<hbm>>
        tpu.enqueue_indirect_dma source(%dma_start3A_440 : memref<1000000x64xf32, #tpu.memory_space<hbm>>) target(%dma_start3A_436 : memref<128x64xf32, #tpu.memory_space<vmem>>) offsets(%dma_start3A_437 : memref<128xi32, #tpu.memory_space<vmem>>) semaphore(%arg11 : memref<!tpu.dma_semaphore, #tpu.memory_space<semaphore_mem>>)
      } else {
      }
    }
    %scan3A_109 = arith.constant 25 : i32
    %add3A_110 = arith.constant 25088 : i32
    %add3A_111 = arith.addi %mul3A_2, %add3A_110 : i32
    %dma_wait3A = arith.constant 0 : i32
    %dma_wait3A_112 = arith.constant 0 : i32
    %dma_wait3A_113 = arith.constant 0 : i32
    %dma_wait3A_114 = tpu.memref_slice %arg7[%dma_wait3A, %dma_wait3A_112, %dma_wait3A_113] : memref<2x256x64xf32, #tpu.memory_space<vmem>> -> memref<1x256x64xf32, #tpu.memory_space<vmem>>
    %dma_wait3A_115 = tpu.memref_squeeze %dma_wait3A_114 : memref<1x256x64xf32, #tpu.memory_space<vmem>> -> memref<256x64xf32, #tpu.memory_space<vmem>>
    %dma_wait3A_116 = arith.constant 0 : i32
    %dma_wait3A_117 = tpu.memref_slice %arg4[%add3A_111, %dma_wait3A_116] : memref<819200x64xf32, #tpu.memory_space<hbm>> -> memref<256x64xf32, #tpu.memory_space<hbm>>
    %dma_wait3A_118 = arith.constant 0 : i32
    %dma_wait3A_119 = tpu.memref_slice %arg4[%add3A_111, %dma_wait3A_118] : memref<819200x64xf32, #tpu.memory_space<hbm>> -> memref<256x64xf32, #tpu.memory_space<hbm>>
    %dma_wait3A_120 = arith.constant 0 : i32
    %dma_wait3A_121 = arith.constant 0 : i32
    %dma_wait3A_122 = tpu.memref_slice %arg7[%dma_wait3A, %dma_wait3A_120, %dma_wait3A_121] : memref<2x256x64xf32, #tpu.memory_space<vmem>> -> memref<1x256x64xf32, #tpu.memory_space<vmem>>
    %dma_wait3A_123 = tpu.memref_squeeze %dma_wait3A_122 : memref<1x256x64xf32, #tpu.memory_space<vmem>> -> memref<256x64xf32, #tpu.memory_space<vmem>>
    tpu.wait_dma2 semaphore(%arg12 : memref<!tpu.dma_semaphore, #tpu.memory_space<semaphore_mem>>) src(%dma_wait3A_123 : memref<256x64xf32, #tpu.memory_space<vmem>>) dst(%dma_wait3A_119 : memref<256x64xf32, #tpu.memory_space<hbm>>)
    %add3A_124 = arith.constant 25344 : i32
    %add3A_125 = arith.addi %mul3A_2, %add3A_124 : i32
    %dma_wait3A_126 = arith.constant 1 : i32
    %dma_wait3A_127 = arith.constant 0 : i32
    %dma_wait3A_128 = arith.constant 0 : i32
    %dma_wait3A_129 = tpu.memref_slice %arg7[%dma_wait3A_126, %dma_wait3A_127, %dma_wait3A_128] : memref<2x256x64xf32, #tpu.memory_space<vmem>> -> memref<1x256x64xf32, #tpu.memory_space<vmem>>
    %dma_wait3A_130 = tpu.memref_squeeze %dma_wait3A_129 : memref<1x256x64xf32, #tpu.memory_space<vmem>> -> memref<256x64xf32, #tpu.memory_space<vmem>>
    %dma_wait3A_131 = arith.constant 0 : i32
    %dma_wait3A_132 = tpu.memref_slice %arg4[%add3A_125, %dma_wait3A_131] : memref<819200x64xf32, #tpu.memory_space<hbm>> -> memref<256x64xf32, #tpu.memory_space<hbm>>
    %dma_wait3A_133 = arith.constant 0 : i32
    %dma_wait3A_134 = tpu.memref_slice %arg4[%add3A_125, %dma_wait3A_133] : memref<819200x64xf32, #tpu.memory_space<hbm>> -> memref<256x64xf32, #tpu.memory_space<hbm>>
    %dma_wait3A_135 = arith.constant 0 : i32
    %dma_wait3A_136 = arith.constant 0 : i32
    %dma_wait3A_137 = tpu.memref_slice %arg7[%dma_wait3A_126, %dma_wait3A_135, %dma_wait3A_136] : memref<2x256x64xf32, #tpu.memory_space<vmem>> -> memref<1x256x64xf32, #tpu.memory_space<vmem>>
    %dma_wait3A_138 = tpu.memref_squeeze %dma_wait3A_137 : memref<1x256x64xf32, #tpu.memory_space<vmem>> -> memref<256x64xf32, #tpu.memory_space<vmem>>
    tpu.wait_dma2 semaphore(%arg13 : memref<!tpu.dma_semaphore, #tpu.memory_space<semaphore_mem>>) src(%dma_wait3A_138 : memref<256x64xf32, #tpu.memory_space<vmem>>) dst(%dma_wait3A_134 : memref<256x64xf32, #tpu.memory_space<hbm>>)
    return
  }
}

</mosaic_0001>

<sc_bundles>
// kernel: kernel.3.cloned.1.call-start
scs
__scs_entry_jumppad:
0x0: {  	(pc) =	sbr.rel $0x88, $3  }
0x1: {  	(tag) =	ssettag $0x0;
	lr =	simm.s32 $0x1  }
0x2: {  	[smem:$0x3F9F] =	sst lr;
	_ =	strace $0xD0000000  }
0x3: {  	_ = 	snop  }
0x4: {  	_ = 	snop  }
0x5: {  	_ = 	snop  }
0x6: {  	_ = 	snop  }
0x7: {  	_ = 	snop  }
__scs_overlays_trampoline_lowered:
0x8: {  	[smem:$0x3FAE] =	sst s0  }
0x9: {  	[smem:$0x3FAF] =	sst s1  }
0xa: {  	[smem:$0x3FB0] =	sst s2  }
0xb: {  	[smem:$0x3FB1] =	sst s3  }
0xc: {  	[smem:$0x3FB2] =	sst s4  }
0xd: {  	[smem:$0x3FB3] =	sst s5  }
0xe: {  	[smem:$0x3FB4] =	sst s6  }
0xf: {  	[smem:$0x3FB5] =	sst s7  }
0x10: {  	[smem:$0x3FB6] =	sst s8  }
0x11: {  	[smem:$0x3FB7] =	sst s9;
	s0 =	simm.s32 @!p0 $0x0  }
0x12: {  	s1 =	sld [smem:$0x3F9D];
	s0 =	simm.s32 @p0 $0x1  }
0x13: {  	[smem:$0x3FB8] =	sst s0;
	s0 =	simm.s32 @!p1 $0x0  }
0x14: {  	s2 =	sld [smem:$0x3F9C];
	s0 =	simm.s32 @p1 $0x1  }
0x15: {  	[smem:$0x3FB9] =	sst s0;
	s0 =	simm.s32 @!p2 $0x0  }
0x16: {  	s3 =	sld [smem:$0x3FDB];
	s0 =	simm.s32 @p2 $0x1  }
0x17: {  	s4 =	simm.s32 $0x1BF5;
	[smem:$0x3FBB] =	sst s0  }
0x18: {  	s0 =	sld [smem:$0x3F9E];
	_ =	swait.ge [sflag:s4], $0x0  }
0x19: {  	s7 =	sld [smem:$0x3F9F]  }
0x1a: {  	s8 =	sadd.s32 $0xFFFFE003, lr  }
0x1b: {  	s9 =	sadd.s32 $0xFFFFFEF7, lr;
	s5 =	simm.s32 $0xFFFFFFFF;
	p2 =	slt.u32 s8, $0xFFFFF086  }
0x1c: {  	p1 =	slt.u32 s9, $0xF7A;
	s5 =	simm.s32 @!p2 $0x0  }
0x1d: {  	s5 =	simm.s32 @p1 $0x1;
	p0 =	seq.s32 s7, s2  }
0x1e: {  	s7 =	smul.u32 @!p0 $0xF7A, s2;
	p2 =	seq.s32 @!p0 s5, $0x0  }
0x1f: {  	s9 =	smul.u32 $0xF7A, s1;
	s8 =	simm.s32 @!p0 $0x1BF5;
	p2 =	por !p2, p0  }
0x20: {  	[sflag:s8] =	ssyncset.s32 @!p0 $0xFFFFF086;
	s6 =	sadd.s32 @!p0 s3, s7;
	s7 =	simm.s32 @!p0 $0x108  }
0x21: {  	s3 =	sadd.s32 s3, s9;
	s6 =	sadd.s32 @!p0 $0x88, s6;
	s7 =	simm.s32 @p2 $0x1082  }
0x22: {  	[simem:s7], [sflag:s8] =	dma.local @!p0 [hbm:s6], $0xF7A  }
0x23: {  	s9 =	sor.u32 $0xD0000000, s2;
	s6 =	simm.s32 $0x108;
	_ =	swait.ge @!p0 [sflag:s8], $0x0  }
0x24: {  	s3 =	sadd.s32 $0x88, s3;
	s6 =	simm.s32 @!p1 $0x1082;
	[sflag:s4] =	ssyncset.s32 $0xFFFFF086  }
0x25: {  	[simem:s6], [sflag:s4] =	dma.local [hbm:s3], $0xF7A  }
0x26: {  	[smem:$0x3F9F] =	sst s1;
	(tag) =	ssettag s2;
	_ =	strace s9  }
0x27: {  	s1 =	sld [smem:$0x3FAF]  }
0x28: {  	s2 =	sld [smem:$0x3FB0]  }
0x29: {  	s4 =	sld [smem:$0x3FB2]  }
0x2a: {  	p0 =	seq.s32 s5, $0x0;
	s5 =	sld [smem:$0x3FB3]  }
0x2b: {  	s6 =	sld [smem:$0x3FB4]  }
0x2c: {  	s7 =	sld [smem:$0x3FB5]  }
0x2d: {  	s3 =	simm.s32 $0x108;
	s8 =	sld [smem:$0x3FB6]  }
0x2e: {  	s3 =	simm.s32 @!p0 $0x1082;
	s9 =	sld [smem:$0x3FB7]  }
0x2f: {  	lr =	sadd.s32 s0, s3;
	s0 =	sld [smem:$0x3FAE]  }
0x30: {  	s3 =	sld [smem:$0x3FB1]  }
0x31: {  	[smem:$0x3FBA] =	sst s10  }
0x32: {  	s10 =	sld [smem:$0x3FB8];
	_ =	sdelay $0x3  }
0x33: {  	p0 =	seq.s32 s10, $0x1;
	s10 =	sld [smem:$0x3FBA];
	_ =	sdelay $0x3  }
0x34: {  	[smem:$0x3FBA] =	sst s10  }
0x35: {  	s10 =	sld [smem:$0x3FB9];
	_ =	sdelay $0x3  }
0x36: {  	p1 =	seq.s32 s10, $0x1;
	s10 =	sld [smem:$0x3FBA];
	_ =	sdelay $0x3  }
0x37: {  	[smem:$0x3FBA] =	sst s10  }
0x38: {  	s10 =	sld [smem:$0x3FBB]  }
0x39: {  	_ = 	snop;
	(pc) =	sbr.ind lr, $3  }
0x3a: {  	_ = 	snop  }
0x3b: {  	_ = 	snop  }
0x3c: {  	p2 =	seq.s32 s10, $0x1;
	s10 =	sld [smem:$0x3FBA]  }
0x3d: {  	_ =	shalt  }
0x3e: {  	_ =	shalt  }
0x3f: {  	_ =	shalt  }
0x40: {  	_ =	shalt  }
0x41: {  	_ =	shalt  }
0x42: {  	_ =	shalt  }
0x43: {  	_ =	shalt  }
0x44: {  	_ =	shalt  }
0x45: {  	_ =	shalt  }
0x46: {  	_ =	shalt  }
0x47: {  	_ =	shalt  }
0x48: {  	_ =	shalt  }
0x49: {  	_ =	shalt  }
0x4a: {  	_ =	shalt  }
0x4b: {  	_ =	shalt  }
0x4c: {  	_ =	shalt  }
0x4d: {  	_ =	shalt  }
0x4e: {  	_ =	shalt  }
0x4f: {  	_ =	shalt  }
0x50: {  	_ =	shalt  }
0x51: {  	_ =	shalt  }
0x52: {  	_ =	shalt  }
0x53: {  	_ =	shalt  }
0x54: {  	_ =	shalt  }
0x55: {  	_ =	shalt  }
0x56: {  	_ =	shalt  }
0x57: {  	_ =	shalt  }
0x58: {  	_ =	shalt  }
0x59: {  	_ =	shalt  }
0x5a: {  	_ =	shalt  }
0x5b: {  	_ =	shalt  }
0x5c: {  	_ =	shalt  }
0x5d: {  	_ =	shalt  }
0x5e: {  	_ =	shalt  }
0x5f: {  	_ =	shalt  }
0x60: {  	_ =	shalt  }
0x61: {  	_ =	shalt  }
0x62: {  	_ =	shalt  }
0x63: {  	_ =	shalt  }
0x64: {  	_ =	shalt  }
0x65: {  	_ =	shalt  }
0x66: {  	_ =	shalt  }
0x67: {  	_ =	shalt  }
0x68: {  	_ =	shalt  }
0x69: {  	_ =	shalt  }
0x6a: {  	_ =	shalt  }
0x6b: {  	_ =	shalt  }
0x6c: {  	_ =	shalt  }
0x6d: {  	_ =	shalt  }
0x6e: {  	_ =	shalt  }
0x6f: {  	_ =	shalt  }
0x70: {  	_ =	shalt  }
0x71: {  	_ =	shalt  }
0x72: {  	_ =	shalt  }
0x73: {  	_ =	shalt  }
0x74: {  	_ =	shalt  }
0x75: {  	_ =	shalt  }
0x76: {  	_ =	shalt  }
0x77: {  	_ =	shalt  }
0x78: {  	_ =	shalt  }
0x79: {  	_ =	shalt  }
0x7a: {  	_ =	shalt  }
0x7b: {  	_ =	shalt  }
0x7c: {  	_ =	shalt  }
0x7d: {  	_ =	shalt  }
0x7e: {  	_ =	shalt  }
0x7f: {  	_ =	shalt  }
0x80: {  	_ =	shalt  }
0x81: {  	_ =	shalt  }
0x82: {  	_ =	shalt  }
0x83: {  	_ =	shalt  }
0x84: {  	_ =	shalt  }
0x85: {  	_ =	shalt  }
0x86: {  	_ =	shalt  }
0x87: {  	_ =	shalt  }
.Lfunc_end0:
.L_simem_size_0:
called_computation.1_lowered:
.L_overlay_start_0:
0x88: {  	s2 =	sld [smem:$0x3FD9]  }
0x89: {  	s3 =	sld [smem:$0x3FFE];
	_ =	sdelay $0x1  }
0x8a: {  	s1 =	srdreg.scid  }
0x8b: {  	s0 =	sand.u32 $0x1, s1  }
0x8c: {  	s17 =	sshll.u32 s0, $0xA;
	s2 =	sadd.s32 s3, s2  }
0x8d: {  	s2 =	sadd.s32 s2, s17  }
0x8e: {  	[smem:$0x3FC6] =	sst s2  }
0x8f: {  	_ = 	snop  }
0x90: {  	s2 =	sld [smem:$0x3FD0];
	(tm) =	ssettm $0x1  }
0x91: {  	s18 =	sld [smem:$0x3FFB];
	_ =	sdelay $0x3  }
0x92: {  	_ =	strace s18  }
0x93: {  	s3 =	sld [smem:$0x3FFC];
	_ =	sdelay $0x3  }
0x94: {  	_ =	strace s3  }
0x95: {  	s3 =	sld [smem:$0x3FFD];
	_ =	sdelay $0x3  }
0x96: {  	_ =	strace s3  }
0x97: {  	_ =	strace $0x8FFFFFFF  }
0x98: {  	s19 =	sld [smem:$0x3FDB];
	_ =	sdelay $0x1  }
0x99: {  	s4 =	simm.s32 $_scs_section_size  }
0x9a: {  	s5 =	simm.s32 $_size__tile_overlayer_lowered;
	s6 =	simm.s32 $_tile_overlayer_lowered  }
0x9b: {  	s22 =	simm.s32 $0x1BFF;
	s21 =	sshll.u32 s6, $0x1;
	s3 =	sadd.s32 s4, s19  }
0x9c: {  	s7 =	simm.s32 $0x0;
	s20 =	sshll.u32 s5, $0x1;
	s5 =	sadd.s32 s21, s3  }
0x9d: {  	[timem:s7], [sflag:s22] =	dma.local [hbm:s5], s20  }
0x9e: {  	_ =	swait.ge [sflag:s22], s20  }
0x9f: {  	s4 =	ssub.s32 $0x0, s20;
	[sflag:s22] =	ssyncset.done $0x0  }
0xa0: {  	[sflag:s22] =	ssyncadd.s32 s4;
	_ =	sdelay $0x1  }
0xa1: {  	s23 =	simm.s32 $0x1B8B  }
0xa2: {  	_ =	swait.ge [sflag:s23], $0x1  }
0xa3: {  	[sflag:s23] =	ssyncset.done $0x0  }
0xa4: {  	s25 =	simm.s32 $0x1B8E;
	s24 =	sld [smem:$0x3FFE];
	[sflag:s23] =	ssyncadd.s32 $0xFFFFFFFF  }
0xa5: {  	s26 =	simm.s32 $execute0_lowered;
	[smem:$0x3FD2] =	sst s25  }
0xa6: {  	s5 =	sshll.u32 s26, $0x1;
	_ =	strace $0x80000046;
	[dreg:$0x1] =	wrdreg $0xFFFFFFFF  }
0xa7: {  	s28 =	simm.s32 $_size_execute0_lowered;
	s3 =	sadd.s32 s3, s5;
	[dreg:$0x0] =	wrdreg $0x0  }
0xa8: {  	s5 =	sshll.u32 s28, $0x1;
	[dreg:$0x2] =	wrdreg s3  }
0xa9: {  	[dreg:$0x3] =	wrdreg s5  }
0xaa: {  	[dreg:$0x4] =	wrdreg $0xC0  }
0xab: {  	_ =	task [dreg:s7], $0x5FFFF  }
0xac: {  	[dreg:$0x1] =	wrdreg $0xFFFFFFFF  }
0xad: {  	[dreg:$0x0] =	wrdreg $0x60  }
0xae: {  	[dreg:$0x2] =	wrdreg s24  }
0xaf: {  	[dreg:$0x3] =	wrdreg s2  }
0xb0: {  	[dreg:$0x4] =	wrdreg $0x9  }
0xb1: {  	_ =	task.clear_ibuf [dreg:s7], $0x5FFFF;
	_ =	strace $0x90000046  }
0xb2: {  	s29 =	simm.s32 $0x9;
	_ =	strace $0x80000048  }
0xb3: {  	_ =	swait.ge [sflag:s29], $0x1  }
0xb4: {  	[sflag:s29] =	ssyncadd.s32 $0xFFFFFFFF  }
0xb5: {  	_ =	strace $0x90000048  }
0xb6: {  	_ =	sfence  }
0xb7: {  	s30 =	sld [smem:$0x0];
	_ =	sdelay $0x2  }
0xb8: {  	s31 =	sshll.u32 s1, $0xD;
	s1 =	sshrl.u32 s1, $0x2  }
0xb9: {  	s3 =	sand.u32 $0x4000, s31;
	s1 =	sadd.s32 s1, s30  }
0xba: {  	s0 =	sor.u32 s3, s0;
	s1 =	sshll.u32 s1, $0x11  }
0xbb: {  	s0 =	sor.u32 s1, s0  }
0xbc: {  	s0 =	sadd.s32 $0x8F2B, s0  }
0xbd: {  	[sflag:s0] =	ssyncadd.remote.s32 $0x1  }
0xbe: {  	_ =	sfence.sel $0xFFFF  }
0xbf: {  	[dreg:$0x0] =	wrdreg $0xFFFFFFFF;
	(pc) =	sbr.abs _section_cstart, $3  }
0xc0: {  	[dreg:$0x1] =	wrdreg $0xFFFFFFFF  }
0xc1: {  	_ =	task.clear_ibuf [dreg:s7], $0x2FFFF;
	_ =	strace $0x9FFFFFFF  }
0xc2: {  	(tm) =	ssettm $0x7FFFFFFF  }
0xc3: {  	_ =	shalt  }
tec
execute0_lowered:
.L_overlay_start_1:
0x0: {  	(tag) =	ssettag $0x1  }
0x1: {  	s0 =	srdreg.scid;
	s4 =	rddreg [dreg:$0x0]  }
0x2: {  	s1 =	stileid.u32;
	s2 =	rddreg [dreg:$0x1]  }
0x3: {  	s3 =	simm.s32 $0x0;
	s11 =	simm.s32 $0x7;
	s12 =	simm.s32 $0x80  }
0x4: {  	s22 =	simm.s32 $0x10400;
	s23 =	simm.s32 $0x300;
	s24 =	simm.s32 $0x12400  }
0x5: {  	s25 =	simm.s32 $0x380;
	s26 =	simm.s32 $0x14400;
	s28 =	simm.s32 $0x1  }
0x6: {  	s29 =	simm.s32 $0x16400;
	s30 =	simm.s32 $0x2;
	s31 =	simm.s32 $0x1A400  }
0x7: {  	s13 =	simm.s32 $0x4;
	s0 =	sand.u32 $0x1, s0;
	s1 =	sshll.u32 s1, $0x1  }
0x8: {  	s14 =	simm.s32 $0x6;
	s15 =	simm.s32 $0x0;
	s1 =	sor.u32 s0, s1  }
0x9: {  	[smem:$0x7FF] =	sst s3;
	s0 =	ssub.s32 $0x2, s0;
	s9 =	smul.u32 $0x6400, s1  }
.Ltmp0:
0xa: {  	_ =	strace $0x80000047;
	s6 =	sshrl.u32 s0, $0x1;
	(pc) =	sbr.rel .LBB2_1-.Ltmp0, $4  }
0xb: {  	s0 =	ssub.s32 s0, s6;
	s6 =	smul.u32 $0x190000, s1;
	s1 =	simm.s32 $0x3  }
0xc: {  	s5 =	sshrl.u32 s9, $0x3;
	s7 =	sor.u32 $0x100, s9;
	s8 =	sor.u32 $0x200, s9  }
0xd: {  	s9 =	sor.u32 $0x300, s9;
	s10 =	smax.u32 s0, $0x1;
	s5 =	sadd.s32 s5, s4  }
0xe: {  	s0 =	simm.s32 $0x5;
	s4 =	sadd.s32 $0xF42E00, s4;
	s5 =	sadd.s32 $0xA00, s5  }
.LBB2_12:
0xf: {  	s15 =	sadd.s32 $0x1, s15  }
0x10: {  	_ =	swait.ge [sflag:s0], $0x4000;
	p0 =	sne.s32 s15, s10  }
.Ltmp1:
0x11: {  	[sflag:s0] =	ssyncset.done $0x0;
	(pc) =	sbr.rel @!p0 .LBB2_13-.Ltmp1, $4  }
0x12: {  	[sflag:s0] =	ssyncadd.s32 $0xFFFFC000  }
0x13: {  	_ =	swait.ge [sflag:s14], $0x4000  }
0x14: {  	[sflag:s14] =	ssyncset.done $0x0  }
0x15: {  	[sflag:s14] =	ssyncadd.s32 $0xFFFFC000  }
.LBB2_1:
0x16: {  	[tilespmem:s3], [sflag:$0x7] =	stream.linear.gather [hbm4b:s5+s3], $0x6400, $0x38;
	[tilespmem:$0x1E400] =	vst v63  }
0x17: {  	_ =	swait.ge [sflag:s11], $0x6400  }
0x18: {  	[sflag:s11] =	ssyncset.done $0x0  }
0x19: {  	s16 =	simm.s32 $0x6400;
	[sflag:s11] =	ssyncadd.s32 $0xFFFF9C00  }
0x1a: {  	[tilespmem:s16], [sflag:$0x1] =	stream.indirect.gather [hbm4b:s4+s12], $0x40, s3, s12, $0xb8;
	[tilespmem:$0x1E400] =	vst v63  }
0x1b: {  	s20 =	simm.s32 $0x8400  }
0x1c: {  	[tilespmem:s20], [sflag:$0x1] =	stream.indirect.gather [hbm4b:s4+s12], $0x40, s12, s12, $0xb8;
	[tilespmem:$0x1E400] =	vst v63  }
0x1d: {  	s21 =	simm.s32 $0x100;
	s17 =	simm.s32 $0xA400  }
0x1e: {  	[tilespmem:s17], [sflag:$0x2] =	stream.indirect.gather [hbm4b:s4+s12], $0x40, s21, s12, $0xb8;
	[tilespmem:$0x1E400] =	vst v63  }
0x1f: {  	s18 =	simm.s32 $0xC400;
	s17 =	simm.s32 $0x180  }
0x20: {  	[tilespmem:s18], [sflag:$0x2] =	stream.indirect.gather [hbm4b:s4+s12], $0x40, s17, s12, $0xb8;
	[tilespmem:$0x1E400] =	vst v63  }
0x21: {  	s19 =	simm.s32 $0x200;
	s20 =	simm.s32 $0xE400  }
0x22: {  	[tilespmem:s20], [sflag:$0x3] =	stream.indirect.gather [hbm4b:s4+s12], $0x40, s19, s12, $0xb8;
	[tilespmem:$0x1E400] =	vst v63  }
0x23: {  	s21 =	simm.s32 $0x280  }
0x24: {  	[tilespmem:s22], [sflag:$0x3] =	stream.indirect.gather [hbm4b:s4+s12], $0x40, s21, s12, $0xb8;
	[tilespmem:$0x1E400] =	vst v63  }
0x25: {  	_ = 	snop  }
0x26: {  	[tilespmem:s24], [sflag:$0x4] =	stream.indirect.gather [hbm4b:s4+s12], $0x40, s23, s12, $0xb8;
	[tilespmem:$0x1E400] =	vst v63  }
0x27: {  	s16 =	simm.s32 $0x0  }
0x28: {  	[tilespmem:s26], [sflag:$0x4] =	stream.indirect.gather [hbm4b:s4+s12], $0x40, s25, s12, $0xb8;
	[tilespmem:$0x1E400] =	vst v63  }
.LBB2_2:
0x29: {  	_ =	swait.ge [sflag:s28], $0x2000  }
0x2a: {  	[sflag:s28] =	ssyncset.done $0x0  }
0x2b: {  	[sflag:s28] =	ssyncadd.s32 $0xFFFFE000  }
0x2c: {  	_ =	swait.ge [sflag:s28], $0x2000  }
0x2d: {  	p1 =	seq.s32 s16, $0x0;
	[sflag:s28] =	ssyncset.done $0x0  }
0x2e: {  	s17 =	simm.s32 @!p1 $0x5;
	[sflag:s28] =	ssyncadd.s32 $0xFFFFE000  }
0x2f: {  	_ =	swait.ge @!p1 [sflag:s17], $0x4000  }
0x30: {  	[sflag:s17] =	ssyncset.done @!p1 $0x0  }
0x31: {  	s20 =	simm.s32 $0x6500;
	[sflag:s17] =	ssyncadd.s32 @!p1 $0xFFFFC000  }
0x32: {  	v0 =	vld [tilespmem:s20+$0xC0]  }
0x33: {  	v1 =	vld [tilespmem:s20+$0xFFFFFF40]  }
0x34: {  	v2 =	vld [tilespmem:s20+$0xFFFFFF80]  }
0x35: {  	v3 =	vld [tilespmem:s20+$0xFFFFFFC0]  }
0x36: {  	v4 =	vld [tilespmem:s20+$0x0]  }
0x37: {  	v5 =	vld [tilespmem:s20+$0x40];
	v0 =	vmul.f32 $8.000000000e+00, v0  }
0x38: {  	s18 =	simm.s32 $0x16500;
	v6 =	vld [tilespmem:s20+$0x80];
	v1 =	vmul.f32 $8.000000000e+00, v1  }
0x39: {  	v7 =	vld [tilespmem:s20+$0xFFFFFF00];
	v2 =	vmul.f32 $8.000000000e+00, v2;
	[tilespmem:s18+$0xC0] =	vst v0  }
0x3a: {  	[tilespmem:s18+$0xFFFFFF40] =	vst v1;
	v0 =	vmul.f32 $8.000000000e+00, v3;
	v1 =	vld [tilespmem:s20+$0xD0]  }
0x3b: {  	[tilespmem:s18+$0xFFFFFF80] =	vst v2;
	v2 =	vmul.f32 $8.000000000e+00, v4;
	v3 =	vld [tilespmem:s20+$0xFFFFFF50]  }
0x3c: {  	v4 =	vld [tilespmem:s20+$0xFFFFFF90];
	[tilespmem:s18+$0xFFFFFFC0] =	vst v0;
	v0 =	vmul.f32 $8.000000000e+00, v5  }
0x3d: {  	[tilespmem:s18+$0x0] =	vst v2;
	v2 =	vmul.f32 $8.000000000e+00, v6;
	v5 =	vld [tilespmem:s20+$0xFFFFFFD0]  }
0x3e: {  	v6 =	vmul.f32 $8.000000000e+00, v7;
	v7 =	vld [tilespmem:s20+$0x10];
	[tilespmem:s18+$0x40] =	vst v0  }
0x3f: {  	[tilespmem:s18+$0x80] =	vst v2;
	v0 =	vld [tilespmem:s20+$0x50];
	v1 =	vmul.f32 $8.000000000e+00, v1  }
0x40: {  	[tilespmem:s18+$0xFFFFFF00] =	vst v6;
	v2 =	vmul.f32 $8.000000000e+00, v3;
	v3 =	vld [tilespmem:s20+$0x90]  }
0x41: {  	v6 =	vld [tilespmem:s20+$0xFFFFFF10];
	v4 =	vmul.f32 $8.000000000e+00, v4;
	[tilespmem:s18+$0xD0] =	vst v1  }
0x42: {  	[tilespmem:s18+$0xFFFFFF50] =	vst v2;
	v1 =	vmul.f32 $8.000000000e+00, v5;
	v2 =	vld [tilespmem:s20+$0xE0]  }
0x43: {  	[tilespmem:s18+$0xFFFFFF90] =	vst v4;
	v4 =	vmul.f32 $8.000000000e+00, v7;
	v5 =	vld [tilespmem:s20+$0xFFFFFF60]  }
0x44: {  	v7 =	vld [tilespmem:s20+$0xFFFFFFA0];
	[tilespmem:s18+$0xFFFFFFD0] =	vst v1;
	v0 =	vmul.f32 $8.000000000e+00, v0  }
0x45: {  	[tilespmem:s18+$0x10] =	vst v4;
	v1 =	vld [tilespmem:s20+$0xFFFFFFE0];
	v3 =	vmul.f32 $8.000000000e+00, v3  }
0x46: {  	v4 =	vmul.f32 $8.000000000e+00, v6;
	v6 =	vld [tilespmem:s20+$0x20];
	[tilespmem:s18+$0x50] =	vst v0  }
0x47: {  	v0 =	vld [tilespmem:s20+$0x60];
	[tilespmem:s18+$0x90] =	vst v3;
	v2 =	vmul.f32 $8.000000000e+00, v2  }
0x48: {  	[tilespmem:s18+$0xFFFFFF10] =	vst v4;
	v3 =	vmul.f32 $8.000000000e+00, v5;
	v4 =	vld [tilespmem:s20+$0xA0]  }
0x49: {  	v5 =	vld [tilespmem:s20+$0xFFFFFF20];
	v7 =	vmul.f32 $8.000000000e+00, v7;
	[tilespmem:s18+$0xE0] =	vst v2  }
0x4a: {  	[tilespmem:s18+$0xFFFFFF60] =	vst v3;
	v1 =	vmul.f32 $8.000000000e+00, v1;
	v3 =	vld [tilespmem:s20+$0xF0]  }
0x4b: {  	[tilespmem:s18+$0xFFFFFFA0] =	vst v7;
	v2 =	vmul.f32 $8.000000000e+00, v6;
	v8 =	vld [tilespmem:s20+$0xFFFFFF70]  }
0x4c: {  	v7 =	vld [tilespmem:s20+$0xFFFFFFB0];
	[tilespmem:s18+$0xFFFFFFE0] =	vst v1;
	v1 =	vmul.f32 $8.000000000e+00, v0  }
0x4d: {  	[tilespmem:s18+$0x20] =	vst v2;
	v0 =	vld [tilespmem:s20+$0xFFFFFFF0];
	v4 =	vmul.f32 $8.000000000e+00, v4  }
0x4e: {  	v5 =	vmul.f32 $8.000000000e+00, v5;
	v2 =	vld [tilespmem:s20+$0x30];
	[tilespmem:s18+$0x60] =	vst v1  }
0x4f: {  	v1 =	vld [tilespmem:s20+$0x70];
	[tilespmem:s18+$0xA0] =	vst v4;
	v9 =	vmul.f32 $8.000000000e+00, v3  }
0x50: {  	[tilespmem:s18+$0xFFFFFF20] =	vst v5;
	v3 =	vld [tilespmem:s20+$0xB0];
	v6 =	vmul.f32 $8.000000000e+00, v8  }
0x51: {  	s19 =	simm.s32 $0x0;
	s17 =	sshll.u32 s16, $0xA;
	v4 =	vld [tilespmem:s20+$0xFFFFFF30];
	v5 =	vmul.f32 $8.000000000e+00, v7;
	s20 =	simm.s32 $0x6700;
	[tilespmem:s18+$0xF0] =	vst v9  }
.LBB2_3:
0x52: {  	v7 =	vld [tilespmem:s20+$0xC0];
	s19 =	sadd.s32 $0x8, s19;
	[tilespmem:s18+$0xFFFFFF70] =	vst v6;
	v0 =	vmul.f32 $8.000000000e+00, v0  }
0x53: {  	v6 =	vld [tilespmem:s20+$0xFFFFFF40];
	p0 =	slt.u32 s19, $0xF8;
	[tilespmem:s18+$0xFFFFFFB0] =	vst v5;
	v2 =	vmul.f32 $8.000000000e+00, v2  }
0x54: {  	v5 =	vld [tilespmem:s20+$0xFFFFFF80];
	[tilespmem:s18+$0xFFFFFFF0] =	vst v0;
	v0 =	vmul.f32 $8.000000000e+00, v1  }
0x55: {  	v1 =	vld [tilespmem:s20+$0xFFFFFFC0];
	[tilespmem:s18+$0x30] =	vst v2;
	v2 =	vmul.f32 $8.000000000e+00, v3  }
0x56: {  	v3 =	vld [tilespmem:s20+$0x0];
	v4 =	vmul.f32 $8.000000000e+00, v4;
	[tilespmem:s18+$0x70] =	vst v0  }
0x57: {  	v0 =	vld [tilespmem:s20+$0x40];
	v7 =	vmul.f32 $8.000000000e+00, v7;
	[tilespmem:s18+$0xB0] =	vst v2  }
0x58: {  	v2 =	vmul.f32 $8.000000000e+00, v6;
	v6 =	vld [tilespmem:s20+$0x80];
	[tilespmem:s18+$0xFFFFFF30] =	vst v4;
	s18 =	sadd.s32 $0x200, s18  }
0x59: {  	v4 =	vld [tilespmem:s20+$0xFFFFFF00];
	v5 =	vmul.f32 $8.000000000e+00, v5;
	[tilespmem:s18+$0xC0] =	vst v7  }
0x5a: {  	[tilespmem:s18+$0xFFFFFF40] =	vst v2;
	v1 =	vmul.f32 $8.000000000e+00, v1;
	v2 =	vld [tilespmem:s20+$0xD0]  }
0x5b: {  	v7 =	vld [tilespmem:s20+$0xFFFFFF50];
	[tilespmem:s18+$0xFFFFFF80] =	vst v5;
	v3 =	vmul.f32 $8.000000000e+00, v3  }
0x5c: {  	v5 =	vld [tilespmem:s20+$0xFFFFFF90];
	[tilespmem:s18+$0xFFFFFFC0] =	vst v1;
	v0 =	vmul.f32 $8.000000000e+00, v0  }
0x5d: {  	v1 =	vld [tilespmem:s20+$0xFFFFFFD0];
	[tilespmem:s18+$0x0] =	vst v3;
	v3 =	vmul.f32 $8.000000000e+00, v6  }
0x5e: {  	v4 =	vmul.f32 $8.000000000e+00, v4;
	v6 =	vld [tilespmem:s20+$0x10];
	[tilespmem:s18+$0x40] =	vst v0  }
0x5f: {  	v0 =	vld [tilespmem:s20+$0x50];
	[tilespmem:s18+$0x80] =	vst v3;
	v2 =	vmul.f32 $8.000000000e+00, v2  }
0x60: {  	[tilespmem:s18+$0xFFFFFF00] =	vst v4;
	v3 =	vmul.f32 $8.000000000e+00, v7;
	v4 =	vld [tilespmem:s20+$0x90]  }
0x61: {  	v7 =	vld [tilespmem:s20+$0xFFFFFF10];
	v5 =	vmul.f32 $8.000000000e+00, v5;
	[tilespmem:s18+$0xD0] =	vst v2  }
0x62: {  	[tilespmem:s18+$0xFFFFFF50] =	vst v3;
	v1 =	vmul.f32 $8.000000000e+00, v1;
	v2 =	vld [tilespmem:s20+$0xE0]  }
0x63: {  	v3 =	vld [tilespmem:s20+$0xFFFFFF60];
	[tilespmem:s18+$0xFFFFFF90] =	vst v5;
	v5 =	vmul.f32 $8.000000000e+00, v6  }
0x64: {  	v6 =	vld [tilespmem:s20+$0xFFFFFFA0];
	[tilespmem:s18+$0xFFFFFFD0] =	vst v1;
	v0 =	vmul.f32 $8.000000000e+00, v0  }
0x65: {  	v1 =	vld [tilespmem:s20+$0xFFFFFFE0];
	[tilespmem:s18+$0x10] =	vst v5;
	v4 =	vmul.f32 $8.000000000e+00, v4  }
0x66: {  	v5 =	vmul.f32 $8.000000000e+00, v7;
	v7 =	vld [tilespmem:s20+$0x20];
	[tilespmem:s18+$0x50] =	vst v0  }
0x67: {  	v0 =	vld [tilespmem:s20+$0x60];
	[tilespmem:s18+$0x90] =	vst v4;
	v2 =	vmul.f32 $8.000000000e+00, v2  }
0x68: {  	[tilespmem:s18+$0xFFFFFF10] =	vst v5;
	v3 =	vmul.f32 $8.000000000e+00, v3;
	v4 =	vld [tilespmem:s20+$0xA0]  }
0x69: {  	v5 =	vld [tilespmem:s20+$0xFFFFFF20];
	v6 =	vmul.f32 $8.000000000e+00, v6;
	[tilespmem:s18+$0xE0] =	vst v2  }
0x6a: {  	[tilespmem:s18+$0xFFFFFF60] =	vst v3;
	v1 =	vmul.f32 $8.000000000e+00, v1;
	v3 =	vld [tilespmem:s20+$0xF0]  }
0x6b: {  	v8 =	vld [tilespmem:s20+$0xFFFFFF70];
	[tilespmem:s18+$0xFFFFFFA0] =	vst v6;
	v2 =	vmul.f32 $8.000000000e+00, v7  }
0x6c: {  	v7 =	vld [tilespmem:s20+$0xFFFFFFB0];
	[tilespmem:s18+$0xFFFFFFE0] =	vst v1;
	v1 =	vmul.f32 $8.000000000e+00, v0  }
.Ltmp2:
0x6d: {  	v0 =	vld [tilespmem:s20+$0xFFFFFFF0];
	[tilespmem:s18+$0x20] =	vst v2;
	v4 =	vmul.f32 $8.000000000e+00, v4;
	(pc) =	sbr.rel @p0 .LBB2_3-.Ltmp2, $4  }
0x6e: {  	v5 =	vmul.f32 $8.000000000e+00, v5;
	v2 =	vld [tilespmem:s20+$0x30];
	[tilespmem:s18+$0x60] =	vst v1  }
0x6f: {  	v1 =	vld [tilespmem:s20+$0x70];
	[tilespmem:s18+$0xA0] =	vst v4;
	v9 =	vmul.f32 $8.000000000e+00, v3  }
0x70: {  	[tilespmem:s18+$0xFFFFFF20] =	vst v5;
	v6 =	vmul.f32 $8.000000000e+00, v8;
	v3 =	vld [tilespmem:s20+$0xB0]  }
0x71: {  	v4 =	vld [tilespmem:s20+$0xFFFFFF30];
	v5 =	vmul.f32 $8.000000000e+00, v7;
	[tilespmem:s18+$0xF0] =	vst v9;
	s20 =	sadd.s32 $0x200, s20  }
0x72: {  	[tilespmem:s18+$0xFFFFFF70] =	vst v6;
	v0 =	vmul.f32 $8.000000000e+00, v0  }
0x73: {  	[tilespmem:s18+$0xFFFFFFB0] =	vst v5;
	v2 =	vmul.f32 $8.000000000e+00, v2  }
0x74: {  	[tilespmem:s18+$0xFFFFFFF0] =	vst v0;
	v0 =	vmul.f32 $8.000000000e+00, v1  }
0x75: {  	s19 =	sshll.u32 s16, $0x10;
	[tilespmem:s18+$0x30] =	vst v2;
	v1 =	vmul.f32 $8.000000000e+00, v3  }
0x76: {  	s19 =	sadd.s32 s6, s19;
	v2 =	vmul.f32 $8.000000000e+00, v4;
	[tilespmem:s18+$0x70] =	vst v0  }
0x77: {  	s19 =	sshrl.u32 s19, $0x3;
	[tilespmem:s18+$0xB0] =	vst v1  }
0x78: {  	p0 =	seq.s32 s16, $0x18;
	s21 =	sadd.s32 s2, s19;
	[tilespmem:s18+$0xFFFFFF30] =	vst v2  }
0x79: {  	[hbm4b:s21+s3] =	stream.linear.scatter [tilespmem:s29], [sflag:$0x5], $0x4000, $0x38;
	[tilespmem:$0x1E400] =	vst v63  }
0x7a: {  	s20 =	simm.s32 @!p0 $0x6400;
	s19 =	simm.s32 @!p0 $0x80;
	s18 =	sadd.s32 @!p0 $0x400, s17  }
0x7b: {  	[tilespmem:s20], [sflag:$0x1] =	stream.indirect.gather @!p0 [hbm4b:s4+s19], $0x40, s18, s19, $0xb8;
	[tilespmem:$0x1E400] =	vst v63  }
0x7c: {  	s18 =	sadd.s32 @!p0 $0x480, s17;
	s20 =	simm.s32 @!p0 $0x8400  }
0x7d: {  	[tilespmem:s20], [sflag:$0x1] =	stream.indirect.gather @!p0 [hbm4b:s4+s19], $0x40, s18, s19, $0xb8;
	[tilespmem:$0x1E400] =	vst v63  }
0x7e: {  	_ =	swait.ge [sflag:s30], $0x2000  }
0x7f: {  	[sflag:s30] =	ssyncset.done $0x0  }
0x80: {  	[sflag:s30] =	ssyncadd.s32 $0xFFFFE000  }
0x81: {  	_ =	swait.ge [sflag:s30], $0x2000  }
0x82: {  	[sflag:s30] =	ssyncset.done $0x0  }
0x83: {  	s18 =	simm.s32 @!p1 $0x6;
	[sflag:s30] =	ssyncadd.s32 $0xFFFFE000  }
0x84: {  	_ =	swait.ge @!p1 [sflag:s18], $0x4000  }
0x85: {  	[sflag:s18] =	ssyncset.done @!p1 $0x0  }
0x86: {  	[sflag:s18] =	ssyncadd.s32 @!p1 $0xFFFFC000;
	s18 =	simm.s32 $0x0  }
0x87: {  	v0 =	vld [tilespmem:s18+$0xA5F0]  }
0x88: {  	v1 =	vld [tilespmem:s18+$0xA400]  }
0x89: {  	v2 =	vld [tilespmem:s18+$0xA410]  }
0x8a: {  	v3 =	vld [tilespmem:s18+$0xA420]  }
0x8b: {  	v4 =	vld [tilespmem:s18+$0xA430]  }
0x8c: {  	v5 =	vld [tilespmem:s18+$0xA440];
	v0 =	vmul.f32 $8.000000000e+00, v0  }
0x8d: {  	v6 =	vld [tilespmem:s18+$0xA450];
	v1 =	vmul.f32 $8.000000000e+00, v1  }
0x8e: {  	v7 =	vld [tilespmem:s18+$0xA460];
	v2 =	vmul.f32 $8.000000000e+00, v2;
	[tilespmem:s18+$0x1A5F0] =	vst v0  }
0x8f: {  	[tilespmem:s18+$0x1A400] =	vst v1;
	v0 =	vmul.f32 $8.000000000e+00, v3;
	v1 =	vld [tilespmem:s18+$0xA470]  }
0x90: {  	[tilespmem:s18+$0x1A410] =	vst v2;
	v2 =	vmul.f32 $8.000000000e+00, v4;
	v3 =	vld [tilespmem:s18+$0xA480]  }
0x91: {  	v4 =	vld [tilespmem:s18+$0xA490];
	[tilespmem:s18+$0x1A420] =	vst v0;
	v0 =	vmul.f32 $8.000000000e+00, v5  }
0x92: {  	[tilespmem:s18+$0x1A430] =	vst v2;
	v2 =	vmul.f32 $8.000000000e+00, v6;
	v5 =	vld [tilespmem:s18+$0xA4A0]  }
0x93: {  	v6 =	vld [tilespmem:s18+$0xA4B0];
	[tilespmem:s18+$0x1A440] =	vst v0;
	v0 =	vmul.f32 $8.000000000e+00, v7  }
0x94: {  	[tilespmem:s18+$0x1A450] =	vst v2;
	v2 =	vld [tilespmem:s18+$0xA4C0];
	v1 =	vmul.f32 $8.000000000e+00, v1  }
0x95: {  	[tilespmem:s18+$0x1A460] =	vst v0;
	v0 =	vmul.f32 $8.000000000e+00, v3;
	v3 =	vld [tilespmem:s18+$0xA4D0]  }
0x96: {  	[tilespmem:s18+$0x1A470] =	vst v1;
	v1 =	vmul.f32 $8.000000000e+00, v4;
	v4 =	vld [tilespmem:s18+$0xA4E0]  }
0x97: {  	[tilespmem:s18+$0x1A480] =	vst v0;
	v0 =	vmul.f32 $8.000000000e+00, v5;
	v5 =	vld [tilespmem:s18+$0xA4F0]  }
0x98: {  	[tilespmem:s18+$0x1A490] =	vst v1;
	v1 =	vmul.f32 $8.000000000e+00, v6;
	v6 =	vld [tilespmem:s18+$0xA500]  }
0x99: {  	[tilespmem:s18+$0x1A4A0] =	vst v0;
	v0 =	vmul.f32 $8.000000000e+00, v2;
	v2 =	vld [tilespmem:s18+$0xA510]  }
0x9a: {  	[tilespmem:s18+$0x1A4B0] =	vst v1;
	v1 =	vmul.f32 $8.000000000e+00, v3;
	v3 =	vld [tilespmem:s18+$0xA520]  }
0x9b: {  	[tilespmem:s18+$0x1A4C0] =	vst v0;
	v0 =	vmul.f32 $8.000000000e+00, v4;
	v4 =	vld [tilespmem:s18+$0xA530]  }
0x9c: {  	[tilespmem:s18+$0x1A4D0] =	vst v1;
	v1 =	vmul.f32 $8.000000000e+00, v5;
	v5 =	vld [tilespmem:s18+$0xA540]  }
0x9d: {  	[tilespmem:s18+$0x1A4E0] =	vst v0;
	v0 =	vmul.f32 $8.000000000e+00, v6;
	v6 =	vld [tilespmem:s18+$0xA550]  }
0x9e: {  	[tilespmem:s18+$0x1A4F0] =	vst v1;
	v1 =	vmul.f32 $8.000000000e+00, v2;
	v2 =	vld [tilespmem:s18+$0xA560]  }
0x9f: {  	v7 =	vld [tilespmem:s18+$0xA570];
	[tilespmem:s18+$0x1A500] =	vst v0;
	v0 =	vmul.f32 $8.000000000e+00, v3  }
0xa0: {  	[tilespmem:s18+$0x1A510] =	vst v1;
	v1 =	vmul.f32 $8.000000000e+00, v4;
	v4 =	vld [tilespmem:s18+$0xA580]  }
0xa1: {  	v3 =	vld [tilespmem:s18+$0xA590];
	[tilespmem:s18+$0x1A520] =	vst v0;
	v5 =	vmul.f32 $8.000000000e+00, v5  }
0xa2: {  	v0 =	vld [tilespmem:s18+$0xA5A0];
	[tilespmem:s18+$0x1A530] =	vst v1;
	v6 =	vmul.f32 $8.000000000e+00, v6  }
0xa3: {  	v1 =	vld [tilespmem:s18+$0xA5B0];
	[tilespmem:s18+$0x1A540] =	vst v5;
	v5 =	vmul.f32 $8.000000000e+00, v2  }
0xa4: {  	v2 =	vld [tilespmem:s18+$0xA5C0];
	[tilespmem:s18+$0x1A550] =	vst v6;
	v6 =	vmul.f32 $8.000000000e+00, v7  }
0xa5: {  	s19 =	simm.s32 $0x0;
	s20 =	simm.s32 $0x800;
	[tilespmem:s18+$0x1A560] =	vst v5;
	v5 =	vmul.f32 $8.000000000e+00, v4;
	v4 =	vld [tilespmem:s18+$0xA5D0]  }
.LBB2_5:
0xa6: {  	s21 =	sshra.s32 s20, $0x2;
	s19 =	sadd.s32 $0x8, s19;
	[tilespmem:s18+$0x1A570] =	vst v6;
	v3 =	vmul.f32 $8.000000000e+00, v3;
	v6 =	vld [tilespmem:s18+$0xA5E0]  }
0xa7: {  	v7 =	vld [tilespmem:s21+$0xA5F0];
	p1 =	slt.u32 s19, $0xF8;
	[tilespmem:s18+$0x1A580] =	vst v5;
	v0 =	vmul.f32 $8.000000000e+00, v0  }
0xa8: {  	v5 =	vld [tilespmem:s21+$0xA400];
	[tilespmem:s18+$0x1A590] =	vst v3;
	v1 =	vmul.f32 $8.000000000e+00, v1  }
0xa9: {  	v3 =	vld [tilespmem:s21+$0xA410];
	[tilespmem:s18+$0x1A5A0] =	vst v0;
	v0 =	vmul.f32 $8.000000000e+00, v2  }
0xaa: {  	v2 =	vld [tilespmem:s21+$0xA420];
	[tilespmem:s18+$0x1A5B0] =	vst v1;
	v1 =	vmul.f32 $8.000000000e+00, v4  }
0xab: {  	v4 =	vld [tilespmem:s21+$0xA430];
	[tilespmem:s18+$0x1A5C0] =	vst v0;
	v0 =	vmul.f32 $8.000000000e+00, v6  }
0xac: {  	v6 =	vld [tilespmem:s21+$0xA440];
	v7 =	vmul.f32 $8.000000000e+00, v7;
	[tilespmem:s18+$0x1A5D0] =	vst v1  }
0xad: {  	v1 =	vmul.f32 $8.000000000e+00, v5;
	v5 =	vld [tilespmem:s21+$0xA450];
	[tilespmem:s18+$0x1A5E0] =	vst v0;
	s18 =	smov.u32 s21  }
0xae: {  	v0 =	vmul.f32 $8.000000000e+00, v3;
	v3 =	vld [tilespmem:s18+$0xA460];
	[tilespmem:s18+$0x1A5F0] =	vst v7  }
0xaf: {  	[tilespmem:s18+$0x1A400] =	vst v1;
	v1 =	vmul.f32 $8.000000000e+00, v2;
	v2 =	vld [tilespmem:s18+$0xA470]  }
0xb0: {  	[tilespmem:s18+$0x1A410] =	vst v0;
	v0 =	vmul.f32 $8.000000000e+00, v4;
	v4 =	vld [tilespmem:s18+$0xA480]  }
0xb1: {  	[tilespmem:s18+$0x1A420] =	vst v1;
	v1 =	vmul.f32 $8.000000000e+00, v6;
	v6 =	vld [tilespmem:s18+$0xA490]  }
0xb2: {  	[tilespmem:s18+$0x1A430] =	vst v0;
	v0 =	vmul.f32 $8.000000000e+00, v5;
	v5 =	vld [tilespmem:s18+$0xA4A0]  }
0xb3: {  	[tilespmem:s18+$0x1A440] =	vst v1;
	v1 =	vmul.f32 $8.000000000e+00, v3;
	v3 =	vld [tilespmem:s18+$0xA4B0]  }
0xb4: {  	[tilespmem:s18+$0x1A450] =	vst v0;
	v0 =	vmul.f32 $8.000000000e+00, v2;
	v2 =	vld [tilespmem:s18+$0xA4C0]  }
0xb5: {  	[tilespmem:s18+$0x1A460] =	vst v1;
	v1 =	vmul.f32 $8.000000000e+00, v4;
	v4 =	vld [tilespmem:s18+$0xA4D0]  }
0xb6: {  	[tilespmem:s18+$0x1A470] =	vst v0;
	v0 =	vmul.f32 $8.000000000e+00, v6;
	v6 =	vld [tilespmem:s18+$0xA4E0]  }
0xb7: {  	[tilespmem:s18+$0x1A480] =	vst v1;
	v1 =	vmul.f32 $8.000000000e+00, v5;
	v5 =	vld [tilespmem:s18+$0xA4F0]  }
0xb8: {  	[tilespmem:s18+$0x1A490] =	vst v0;
	v0 =	vmul.f32 $8.000000000e+00, v3;
	v3 =	vld [tilespmem:s18+$0xA500]  }
0xb9: {  	[tilespmem:s18+$0x1A4A0] =	vst v1;
	v1 =	vmul.f32 $8.000000000e+00, v2;
	v2 =	vld [tilespmem:s18+$0xA510]  }
0xba: {  	[tilespmem:s18+$0x1A4B0] =	vst v0;
	v0 =	vmul.f32 $8.000000000e+00, v4;
	v4 =	vld [tilespmem:s18+$0xA520]  }
0xbb: {  	[tilespmem:s18+$0x1A4C0] =	vst v1;
	v1 =	vmul.f32 $8.000000000e+00, v6;
	v6 =	vld [tilespmem:s18+$0xA530]  }
0xbc: {  	[tilespmem:s18+$0x1A4D0] =	vst v0;
	v0 =	vmul.f32 $8.000000000e+00, v5;
	v5 =	vld [tilespmem:s18+$0xA540]  }
0xbd: {  	[tilespmem:s18+$0x1A4E0] =	vst v1;
	v1 =	vmul.f32 $8.000000000e+00, v3;
	v7 =	vld [tilespmem:s18+$0xA550]  }
0xbe: {  	[tilespmem:s18+$0x1A4F0] =	vst v0;
	v0 =	vmul.f32 $8.000000000e+00, v2;
	v2 =	vld [tilespmem:s18+$0xA560]  }
0xbf: {  	[tilespmem:s18+$0x1A500] =	vst v1;
	v1 =	vmul.f32 $8.000000000e+00, v4;
	v4 =	vld [tilespmem:s18+$0xA570]  }
0xc0: {  	[tilespmem:s18+$0x1A510] =	vst v0;
	v0 =	vmul.f32 $8.000000000e+00, v6;
	v8 =	vld [tilespmem:s18+$0xA580]  }
.Ltmp3:
0xc1: {  	[tilespmem:s18+$0x1A520] =	vst v1;
	v1 =	vmul.f32 $8.000000000e+00, v5;
	v3 =	vld [tilespmem:s18+$0xA590];
	(pc) =	sbr.rel @p1 .LBB2_5-.Ltmp3, $4  }
0xc2: {  	[tilespmem:s18+$0x1A530] =	vst v0;
	v5 =	vmul.f32 $8.000000000e+00, v7;
	v0 =	vld [tilespmem:s18+$0xA5A0]  }
0xc3: {  	[tilespmem:s18+$0x1A540] =	vst v1;
	v7 =	vmul.f32 $8.000000000e+00, v2;
	v1 =	vld [tilespmem:s18+$0xA5B0]  }
0xc4: {  	[tilespmem:s18+$0x1A550] =	vst v5;
	v6 =	vmul.f32 $8.000000000e+00, v4;
	v2 =	vld [tilespmem:s18+$0xA5C0]  }
0xc5: {  	s20 =	sadd.s32 $0x800, s20;
	[tilespmem:s18+$0x1A560] =	vst v7;
	v5 =	vmul.f32 $8.000000000e+00, v8;
	v4 =	vld [tilespmem:s18+$0xA5D0]  }
0xc6: {  	[tilespmem:s18+$0x1A570] =	vst v6;
	v3 =	vmul.f32 $8.000000000e+00, v3;
	v6 =	vld [tilespmem:s18+$0xA5E0]  }
0xc7: {  	[tilespmem:s18+$0x1A580] =	vst v5;
	v0 =	vmul.f32 $8.000000000e+00, v0  }
0xc8: {  	[tilespmem:s18+$0x1A590] =	vst v3;
	v1 =	vmul.f32 $8.000000000e+00, v1  }
0xc9: {  	[tilespmem:s18+$0x1A5A0] =	vst v0;
	v0 =	vmul.f32 $8.000000000e+00, v2  }
0xca: {  	s19 =	sadd.s32 s17, s7;
	[tilespmem:s18+$0x1A5B0] =	vst v1;
	v1 =	vmul.f32 $8.000000000e+00, v4  }
0xcb: {  	s19 =	sshll.u32 s19, $0x3;
	[tilespmem:s18+$0x1A5C0] =	vst v0;
	v0 =	vmul.f32 $8.000000000e+00, v6  }
0xcc: {  	s19 =	sand.u32 $0x1FFFE800, s19;
	[tilespmem:s18+$0x1A5D0] =	vst v1  }
0xcd: {  	s21 =	sadd.s32 s2, s19;
	[tilespmem:s18+$0x1A5E0] =	vst v0  }
0xce: {  	[hbm4b:s21+s3] =	stream.linear.scatter [tilespmem:s31], [sflag:$0x6], $0x4000, $0x38;
	[tilespmem:$0x1E400] =	vst v63  }
0xcf: {  	s20 =	simm.s32 @!p0 $0xA400;
	s19 =	simm.s32 @!p0 $0x80;
	s18 =	sadd.s32 @!p0 $0x500, s17  }
0xd0: {  	[tilespmem:s20], [sflag:$0x2] =	stream.indirect.gather @!p0 [hbm4b:s4+s19], $0x40, s18, s19, $0xb8;
	[tilespmem:$0x1E400] =	vst v63  }
0xd1: {  	s18 =	sadd.s32 @!p0 $0x580, s17;
	s20 =	simm.s32 @!p0 $0xC400  }
0xd2: {  	[tilespmem:s20], [sflag:$0x2] =	stream.indirect.gather @!p0 [hbm4b:s4+s19], $0x40, s18, s19, $0xb8;
	[tilespmem:$0x1E400] =	vst v63  }
0xd3: {  	_ =	swait.ge [sflag:s1], $0x2000  }
0xd4: {  	[sflag:s1] =	ssyncset.done $0x0  }
0xd5: {  	[sflag:s1] =	ssyncadd.s32 $0xFFFFE000  }
0xd6: {  	_ =	swait.ge [sflag:s1], $0x2000  }
0xd7: {  	[sflag:s1] =	ssyncset.done $0x0  }
0xd8: {  	[sflag:s1] =	ssyncadd.s32 $0xFFFFE000  }
0xd9: {  	_ =	swait.ge [sflag:s0], $0x4000  }
0xda: {  	[sflag:s0] =	ssyncset.done $0x0  }
0xdb: {  	s18 =	simm.s32 $0x0;
	[sflag:s0] =	ssyncadd.s32 $0xFFFFC000  }
0xdc: {  	v0 =	vld [tilespmem:s18+$0xE5F0]  }
0xdd: {  	v1 =	vld [tilespmem:s18+$0xE400]  }
0xde: {  	v2 =	vld [tilespmem:s18+$0xE410]  }
0xdf: {  	v3 =	vld [tilespmem:s18+$0xE420]  }
0xe0: {  	v4 =	vld [tilespmem:s18+$0xE430]  }
0xe1: {  	v5 =	vld [tilespmem:s18+$0xE440];
	v0 =	vmul.f32 $8.000000000e+00, v0  }
0xe2: {  	v6 =	vld [tilespmem:s18+$0xE450];
	v1 =	vmul.f32 $8.000000000e+00, v1  }
0xe3: {  	v7 =	vld [tilespmem:s18+$0xE460];
	v2 =	vmul.f32 $8.000000000e+00, v2;
	[tilespmem:s18+$0x165F0] =	vst v0  }
0xe4: {  	[tilespmem:s18+$0x16400] =	vst v1;
	v0 =	vmul.f32 $8.000000000e+00, v3;
	v1 =	vld [tilespmem:s18+$0xE470]  }
0xe5: {  	[tilespmem:s18+$0x16410] =	vst v2;
	v2 =	vmul.f32 $8.000000000e+00, v4;
	v3 =	vld [tilespmem:s18+$0xE480]  }
0xe6: {  	v4 =	vld [tilespmem:s18+$0xE490];
	[tilespmem:s18+$0x16420] =	vst v0;
	v0 =	vmul.f32 $8.000000000e+00, v5  }
0xe7: {  	[tilespmem:s18+$0x16430] =	vst v2;
	v2 =	vmul.f32 $8.000000000e+00, v6;
	v5 =	vld [tilespmem:s18+$0xE4A0]  }
0xe8: {  	v6 =	vld [tilespmem:s18+$0xE4B0];
	[tilespmem:s18+$0x16440] =	vst v0;
	v0 =	vmul.f32 $8.000000000e+00, v7  }
0xe9: {  	[tilespmem:s18+$0x16450] =	vst v2;
	v2 =	vld [tilespmem:s18+$0xE4C0];
	v1 =	vmul.f32 $8.000000000e+00, v1  }
0xea: {  	[tilespmem:s18+$0x16460] =	vst v0;
	v0 =	vmul.f32 $8.000000000e+00, v3;
	v3 =	vld [tilespmem:s18+$0xE4D0]  }
0xeb: {  	[tilespmem:s18+$0x16470] =	vst v1;
	v1 =	vmul.f32 $8.000000000e+00, v4;
	v4 =	vld [tilespmem:s18+$0xE4E0]  }
0xec: {  	[tilespmem:s18+$0x16480] =	vst v0;
	v0 =	vmul.f32 $8.000000000e+00, v5;
	v5 =	vld [tilespmem:s18+$0xE4F0]  }
0xed: {  	[tilespmem:s18+$0x16490] =	vst v1;
	v1 =	vmul.f32 $8.000000000e+00, v6;
	v6 =	vld [tilespmem:s18+$0xE500]  }
0xee: {  	[tilespmem:s18+$0x164A0] =	vst v0;
	v0 =	vmul.f32 $8.000000000e+00, v2;
	v2 =	vld [tilespmem:s18+$0xE510]  }
0xef: {  	[tilespmem:s18+$0x164B0] =	vst v1;
	v1 =	vmul.f32 $8.000000000e+00, v3;
	v3 =	vld [tilespmem:s18+$0xE520]  }
0xf0: {  	[tilespmem:s18+$0x164C0] =	vst v0;
	v0 =	vmul.f32 $8.000000000e+00, v4;
	v4 =	vld [tilespmem:s18+$0xE530]  }
0xf1: {  	[tilespmem:s18+$0x164D0] =	vst v1;
	v1 =	vmul.f32 $8.000000000e+00, v5;
	v5 =	vld [tilespmem:s18+$0xE540]  }
0xf2: {  	[tilespmem:s18+$0x164E0] =	vst v0;
	v0 =	vmul.f32 $8.000000000e+00, v6;
	v6 =	vld [tilespmem:s18+$0xE550]  }
0xf3: {  	[tilespmem:s18+$0x164F0] =	vst v1;
	v1 =	vmul.f32 $8.000000000e+00, v2;
	v2 =	vld [tilespmem:s18+$0xE560]  }
0xf4: {  	v7 =	vld [tilespmem:s18+$0xE570];
	[tilespmem:s18+$0x16500] =	vst v0;
	v0 =	vmul.f32 $8.000000000e+00, v3  }
0xf5: {  	[tilespmem:s18+$0x16510] =	vst v1;
	v1 =	vmul.f32 $8.000000000e+00, v4;
	v4 =	vld [tilespmem:s18+$0xE580]  }
0xf6: {  	v3 =	vld [tilespmem:s18+$0xE590];
	[tilespmem:s18+$0x16520] =	vst v0;
	v5 =	vmul.f32 $8.000000000e+00, v5  }
0xf7: {  	v0 =	vld [tilespmem:s18+$0xE5A0];
	[tilespmem:s18+$0x16530] =	vst v1;
	v6 =	vmul.f32 $8.000000000e+00, v6  }
0xf8: {  	v1 =	vld [tilespmem:s18+$0xE5B0];
	[tilespmem:s18+$0x16540] =	vst v5;
	v5 =	vmul.f32 $8.000000000e+00, v2  }
0xf9: {  	v2 =	vld [tilespmem:s18+$0xE5C0];
	[tilespmem:s18+$0x16550] =	vst v6;
	v6 =	vmul.f32 $8.000000000e+00, v7  }
0xfa: {  	s19 =	simm.s32 $0x0;
	s20 =	simm.s32 $0x800;
	[tilespmem:s18+$0x16560] =	vst v5;
	v5 =	vmul.f32 $8.000000000e+00, v4;
	v4 =	vld [tilespmem:s18+$0xE5D0]  }
.LBB2_7:
0xfb: {  	s21 =	sshra.s32 s20, $0x2;
	s19 =	sadd.s32 $0x8, s19;
	[tilespmem:s18+$0x16570] =	vst v6;
	v3 =	vmul.f32 $8.000000000e+00, v3;
	v6 =	vld [tilespmem:s18+$0xE5E0]  }
0xfc: {  	v7 =	vld [tilespmem:s21+$0xE5F0];
	p1 =	slt.u32 s19, $0xF8;
	[tilespmem:s18+$0x16580] =	vst v5;
	v0 =	vmul.f32 $8.000000000e+00, v0  }
0xfd: {  	v5 =	vld [tilespmem:s21+$0xE400];
	[tilespmem:s18+$0x16590] =	vst v3;
	v1 =	vmul.f32 $8.000000000e+00, v1  }
0xfe: {  	v3 =	vld [tilespmem:s21+$0xE410];
	[tilespmem:s18+$0x165A0] =	vst v0;
	v0 =	vmul.f32 $8.000000000e+00, v2  }
0xff: {  	v2 =	vld [tilespmem:s21+$0xE420];
	[tilespmem:s18+$0x165B0] =	vst v1;
	v1 =	vmul.f32 $8.000000000e+00, v4  }
0x100: {  	v4 =	vld [tilespmem:s21+$0xE430];
	[tilespmem:s18+$0x165C0] =	vst v0;
	v0 =	vmul.f32 $8.000000000e+00, v6  }
0x101: {  	v6 =	vld [tilespmem:s21+$0xE440];
	v7 =	vmul.f32 $8.000000000e+00, v7;
	[tilespmem:s18+$0x165D0] =	vst v1  }
0x102: {  	v1 =	vmul.f32 $8.000000000e+00, v5;
	v5 =	vld [tilespmem:s21+$0xE450];
	[tilespmem:s18+$0x165E0] =	vst v0;
	s18 =	smov.u32 s21  }
0x103: {  	v0 =	vmul.f32 $8.000000000e+00, v3;
	v3 =	vld [tilespmem:s18+$0xE460];
	[tilespmem:s18+$0x165F0] =	vst v7  }
0x104: {  	[tilespmem:s18+$0x16400] =	vst v1;
	v1 =	vmul.f32 $8.000000000e+00, v2;
	v2 =	vld [tilespmem:s18+$0xE470]  }
0x105: {  	[tilespmem:s18+$0x16410] =	vst v0;
	v0 =	vmul.f32 $8.000000000e+00, v4;
	v4 =	vld [tilespmem:s18+$0xE480]  }
0x106: {  	[tilespmem:s18+$0x16420] =	vst v1;
	v1 =	vmul.f32 $8.000000000e+00, v6;
	v6 =	vld [tilespmem:s18+$0xE490]  }
0x107: {  	[tilespmem:s18+$0x16430] =	vst v0;
	v0 =	vmul.f32 $8.000000000e+00, v5;
	v5 =	vld [tilespmem:s18+$0xE4A0]  }
0x108: {  	[tilespmem:s18+$0x16440] =	vst v1;
	v1 =	vmul.f32 $8.000000000e+00, v3;
	v3 =	vld [tilespmem:s18+$0xE4B0]  }
0x109: {  	[tilespmem:s18+$0x16450] =	vst v0;
	v0 =	vmul.f32 $8.000000000e+00, v2;
	v2 =	vld [tilespmem:s18+$0xE4C0]  }
0x10a: {  	[tilespmem:s18+$0x16460] =	vst v1;
	v1 =	vmul.f32 $8.000000000e+00, v4;
	v4 =	vld [tilespmem:s18+$0xE4D0]  }
0x10b: {  	[tilespmem:s18+$0x16470] =	vst v0;
	v0 =	vmul.f32 $8.000000000e+00, v6;
	v6 =	vld [tilespmem:s18+$0xE4E0]  }
0x10c: {  	[tilespmem:s18+$0x16480] =	vst v1;
	v1 =	vmul.f32 $8.000000000e+00, v5;
	v5 =	vld [tilespmem:s18+$0xE4F0]  }
0x10d: {  	[tilespmem:s18+$0x16490] =	vst v0;
	v0 =	vmul.f32 $8.000000000e+00, v3;
	v3 =	vld [tilespmem:s18+$0xE500]  }
0x10e: {  	[tilespmem:s18+$0x164A0] =	vst v1;
	v1 =	vmul.f32 $8.000000000e+00, v2;
	v2 =	vld [tilespmem:s18+$0xE510]  }
0x10f: {  	[tilespmem:s18+$0x164B0] =	vst v0;
	v0 =	vmul.f32 $8.000000000e+00, v4;
	v4 =	vld [tilespmem:s18+$0xE520]  }
0x110: {  	[tilespmem:s18+$0x164C0] =	vst v1;
	v1 =	vmul.f32 $8.000000000e+00, v6;
	v6 =	vld [tilespmem:s18+$0xE530]  }
0x111: {  	[tilespmem:s18+$0x164D0] =	vst v0;
	v0 =	vmul.f32 $8.000000000e+00, v5;
	v5 =	vld [tilespmem:s18+$0xE540]  }
0x112: {  	[tilespmem:s18+$0x164E0] =	vst v1;
	v1 =	vmul.f32 $8.000000000e+00, v3;
	v7 =	vld [tilespmem:s18+$0xE550]  }
0x113: {  	[tilespmem:s18+$0x164F0] =	vst v0;
	v0 =	vmul.f32 $8.000000000e+00, v2;
	v2 =	vld [tilespmem:s18+$0xE560]  }
0x114: {  	[tilespmem:s18+$0x16500] =	vst v1;
	v1 =	vmul.f32 $8.000000000e+00, v4;
	v4 =	vld [tilespmem:s18+$0xE570]  }
0x115: {  	[tilespmem:s18+$0x16510] =	vst v0;
	v0 =	vmul.f32 $8.000000000e+00, v6;
	v8 =	vld [tilespmem:s18+$0xE580]  }
.Ltmp4:
0x116: {  	[tilespmem:s18+$0x16520] =	vst v1;
	v1 =	vmul.f32 $8.000000000e+00, v5;
	v3 =	vld [tilespmem:s18+$0xE590];
	(pc) =	sbr.rel @p1 .LBB2_7-.Ltmp4, $4  }
0x117: {  	[tilespmem:s18+$0x16530] =	vst v0;
	v5 =	vmul.f32 $8.000000000e+00, v7;
	v0 =	vld [tilespmem:s18+$0xE5A0]  }
0x118: {  	[tilespmem:s18+$0x16540] =	vst v1;
	v7 =	vmul.f32 $8.000000000e+00, v2;
	v1 =	vld [tilespmem:s18+$0xE5B0]  }
0x119: {  	[tilespmem:s18+$0x16550] =	vst v5;
	v6 =	vmul.f32 $8.000000000e+00, v4;
	v2 =	vld [tilespmem:s18+$0xE5C0]  }
0x11a: {  	s20 =	sadd.s32 $0x800, s20;
	[tilespmem:s18+$0x16560] =	vst v7;
	v5 =	vmul.f32 $8.000000000e+00, v8;
	v4 =	vld [tilespmem:s18+$0xE5D0]  }
0x11b: {  	[tilespmem:s18+$0x16570] =	vst v6;
	v3 =	vmul.f32 $8.000000000e+00, v3;
	v6 =	vld [tilespmem:s18+$0xE5E0]  }
0x11c: {  	[tilespmem:s18+$0x16580] =	vst v5;
	v0 =	vmul.f32 $8.000000000e+00, v0  }
0x11d: {  	[tilespmem:s18+$0x16590] =	vst v3;
	v1 =	vmul.f32 $8.000000000e+00, v1  }
0x11e: {  	[tilespmem:s18+$0x165A0] =	vst v0;
	v0 =	vmul.f32 $8.000000000e+00, v2  }
0x11f: {  	s19 =	sadd.s32 s17, s8;
	[tilespmem:s18+$0x165B0] =	vst v1;
	v1 =	vmul.f32 $8.000000000e+00, v4  }
0x120: {  	s19 =	sshll.u32 s19, $0x3;
	[tilespmem:s18+$0x165C0] =	vst v0;
	v0 =	vmul.f32 $8.000000000e+00, v6  }
0x121: {  	s19 =	sand.u32 $0x1FFFF000, s19;
	[tilespmem:s18+$0x165D0] =	vst v1  }
0x122: {  	s21 =	sadd.s32 s2, s19;
	[tilespmem:s18+$0x165E0] =	vst v0  }
0x123: {  	[hbm4b:s21+s3] =	stream.linear.scatter [tilespmem:s29], [sflag:$0x5], $0x4000, $0x38;
	[tilespmem:$0x1E400] =	vst v63  }
0x124: {  	s20 =	simm.s32 @!p0 $0xE400;
	s19 =	simm.s32 @!p0 $0x80;
	s18 =	sadd.s32 @!p0 $0x600, s17  }
0x125: {  	[tilespmem:s20], [sflag:$0x3] =	stream.indirect.gather @!p0 [hbm4b:s4+s19], $0x40, s18, s19, $0xb8;
	[tilespmem:$0x1E400] =	vst v63  }
0x126: {  	s18 =	sadd.s32 @!p0 $0x680, s17;
	s20 =	simm.s32 @!p0 $0x10400  }
0x127: {  	[tilespmem:s20], [sflag:$0x3] =	stream.indirect.gather @!p0 [hbm4b:s4+s19], $0x40, s18, s19, $0xb8;
	[tilespmem:$0x1E400] =	vst v63  }
0x128: {  	_ =	swait.ge [sflag:s13], $0x2000  }
0x129: {  	[sflag:s13] =	ssyncset.done $0x0  }
0x12a: {  	[sflag:s13] =	ssyncadd.s32 $0xFFFFE000  }
0x12b: {  	_ =	swait.ge [sflag:s13], $0x2000  }
0x12c: {  	[sflag:s13] =	ssyncset.done $0x0  }
0x12d: {  	[sflag:s13] =	ssyncadd.s32 $0xFFFFE000  }
0x12e: {  	_ =	swait.ge [sflag:s14], $0x4000  }
0x12f: {  	[sflag:s14] =	ssyncset.done $0x0  }
0x130: {  	s18 =	simm.s32 $0x0;
	[sflag:s14] =	ssyncadd.s32 $0xFFFFC000  }
0x131: {  	v0 =	vld [tilespmem:s18+$0x125F0]  }
0x132: {  	v1 =	vld [tilespmem:s18+$0x12400]  }
0x133: {  	v2 =	vld [tilespmem:s18+$0x12410]  }
0x134: {  	v3 =	vld [tilespmem:s18+$0x12420]  }
0x135: {  	v4 =	vld [tilespmem:s18+$0x12430]  }
0x136: {  	v5 =	vld [tilespmem:s18+$0x12440];
	v0 =	vmul.f32 $8.000000000e+00, v0  }
0x137: {  	v6 =	vld [tilespmem:s18+$0x12450];
	v1 =	vmul.f32 $8.000000000e+00, v1  }
0x138: {  	v7 =	vld [tilespmem:s18+$0x12460];
	v2 =	vmul.f32 $8.000000000e+00, v2;
	[tilespmem:s18+$0x1A5F0] =	vst v0  }
0x139: {  	[tilespmem:s18+$0x1A400] =	vst v1;
	v0 =	vmul.f32 $8.000000000e+00, v3;
	v1 =	vld [tilespmem:s18+$0x12470]  }
0x13a: {  	[tilespmem:s18+$0x1A410] =	vst v2;
	v2 =	vmul.f32 $8.000000000e+00, v4;
	v3 =	vld [tilespmem:s18+$0x12480]  }
0x13b: {  	v4 =	vld [tilespmem:s18+$0x12490];
	[tilespmem:s18+$0x1A420] =	vst v0;
	v0 =	vmul.f32 $8.000000000e+00, v5  }
0x13c: {  	[tilespmem:s18+$0x1A430] =	vst v2;
	v2 =	vmul.f32 $8.000000000e+00, v6;
	v5 =	vld [tilespmem:s18+$0x124A0]  }
0x13d: {  	v6 =	vld [tilespmem:s18+$0x124B0];
	[tilespmem:s18+$0x1A440] =	vst v0;
	v0 =	vmul.f32 $8.000000000e+00, v7  }
0x13e: {  	[tilespmem:s18+$0x1A450] =	vst v2;
	v2 =	vld [tilespmem:s18+$0x124C0];
	v1 =	vmul.f32 $8.000000000e+00, v1  }
0x13f: {  	[tilespmem:s18+$0x1A460] =	vst v0;
	v0 =	vmul.f32 $8.000000000e+00, v3;
	v3 =	vld [tilespmem:s18+$0x124D0]  }
0x140: {  	[tilespmem:s18+$0x1A470] =	vst v1;
	v1 =	vmul.f32 $8.000000000e+00, v4;
	v4 =	vld [tilespmem:s18+$0x124E0]  }
0x141: {  	[tilespmem:s18+$0x1A480] =	vst v0;
	v0 =	vmul.f32 $8.000000000e+00, v5;
	v5 =	vld [tilespmem:s18+$0x124F0]  }
0x142: {  	[tilespmem:s18+$0x1A490] =	vst v1;
	v1 =	vmul.f32 $8.000000000e+00, v6;
	v6 =	vld [tilespmem:s18+$0x12500]  }
0x143: {  	[tilespmem:s18+$0x1A4A0] =	vst v0;
	v0 =	vmul.f32 $8.000000000e+00, v2;
	v2 =	vld [tilespmem:s18+$0x12510]  }
0x144: {  	[tilespmem:s18+$0x1A4B0] =	vst v1;
	v1 =	vmul.f32 $8.000000000e+00, v3;
	v3 =	vld [tilespmem:s18+$0x12520]  }
0x145: {  	[tilespmem:s18+$0x1A4C0] =	vst v0;
	v0 =	vmul.f32 $8.000000000e+00, v4;
	v4 =	vld [tilespmem:s18+$0x12530]  }
0x146: {  	[tilespmem:s18+$0x1A4D0] =	vst v1;
	v1 =	vmul.f32 $8.000000000e+00, v5;
	v5 =	vld [tilespmem:s18+$0x12540]  }
0x147: {  	[tilespmem:s18+$0x1A4E0] =	vst v0;
	v0 =	vmul.f32 $8.000000000e+00, v6;
	v6 =	vld [tilespmem:s18+$0x12550]  }
0x148: {  	[tilespmem:s18+$0x1A4F0] =	vst v1;
	v1 =	vmul.f32 $8.000000000e+00, v2;
	v2 =	vld [tilespmem:s18+$0x12560]  }
0x149: {  	v7 =	vld [tilespmem:s18+$0x12570];
	[tilespmem:s18+$0x1A500] =	vst v0;
	v0 =	vmul.f32 $8.000000000e+00, v3  }
0x14a: {  	[tilespmem:s18+$0x1A510] =	vst v1;
	v1 =	vmul.f32 $8.000000000e+00, v4;
	v4 =	vld [tilespmem:s18+$0x12580]  }
0x14b: {  	v3 =	vld [tilespmem:s18+$0x12590];
	[tilespmem:s18+$0x1A520] =	vst v0;
	v5 =	vmul.f32 $8.000000000e+00, v5  }
0x14c: {  	v0 =	vld [tilespmem:s18+$0x125A0];
	[tilespmem:s18+$0x1A530] =	vst v1;
	v6 =	vmul.f32 $8.000000000e+00, v6  }
0x14d: {  	v1 =	vld [tilespmem:s18+$0x125B0];
	[tilespmem:s18+$0x1A540] =	vst v5;
	v5 =	vmul.f32 $8.000000000e+00, v2  }
0x14e: {  	v2 =	vld [tilespmem:s18+$0x125C0];
	[tilespmem:s18+$0x1A550] =	vst v6;
	v6 =	vmul.f32 $8.000000000e+00, v7  }
0x14f: {  	s19 =	simm.s32 $0x0;
	s20 =	simm.s32 $0x800;
	[tilespmem:s18+$0x1A560] =	vst v5;
	v5 =	vmul.f32 $8.000000000e+00, v4;
	v4 =	vld [tilespmem:s18+$0x125D0]  }
.LBB2_9:
0x150: {  	s21 =	sshra.s32 s20, $0x2;
	s19 =	sadd.s32 $0x8, s19;
	[tilespmem:s18+$0x1A570] =	vst v6;
	v3 =	vmul.f32 $8.000000000e+00, v3;
	v6 =	vld [tilespmem:s18+$0x125E0]  }
0x151: {  	v7 =	vld [tilespmem:s21+$0x125F0];
	p1 =	slt.u32 s19, $0xF8;
	[tilespmem:s18+$0x1A580] =	vst v5;
	v0 =	vmul.f32 $8.000000000e+00, v0  }
0x152: {  	v5 =	vld [tilespmem:s21+$0x12400];
	[tilespmem:s18+$0x1A590] =	vst v3;
	v1 =	vmul.f32 $8.000000000e+00, v1  }
0x153: {  	v3 =	vld [tilespmem:s21+$0x12410];
	[tilespmem:s18+$0x1A5A0] =	vst v0;
	v0 =	vmul.f32 $8.000000000e+00, v2  }
0x154: {  	v2 =	vld [tilespmem:s21+$0x12420];
	[tilespmem:s18+$0x1A5B0] =	vst v1;
	v1 =	vmul.f32 $8.000000000e+00, v4  }
0x155: {  	v4 =	vld [tilespmem:s21+$0x12430];
	[tilespmem:s18+$0x1A5C0] =	vst v0;
	v0 =	vmul.f32 $8.000000000e+00, v6  }
0x156: {  	v6 =	vld [tilespmem:s21+$0x12440];
	v7 =	vmul.f32 $8.000000000e+00, v7;
	[tilespmem:s18+$0x1A5D0] =	vst v1  }
0x157: {  	v1 =	vmul.f32 $8.000000000e+00, v5;
	v5 =	vld [tilespmem:s21+$0x12450];
	[tilespmem:s18+$0x1A5E0] =	vst v0;
	s18 =	smov.u32 s21  }
0x158: {  	v0 =	vmul.f32 $8.000000000e+00, v3;
	v3 =	vld [tilespmem:s18+$0x12460];
	[tilespmem:s18+$0x1A5F0] =	vst v7  }
0x159: {  	[tilespmem:s18+$0x1A400] =	vst v1;
	v1 =	vmul.f32 $8.000000000e+00, v2;
	v2 =	vld [tilespmem:s18+$0x12470]  }
0x15a: {  	[tilespmem:s18+$0x1A410] =	vst v0;
	v0 =	vmul.f32 $8.000000000e+00, v4;
	v4 =	vld [tilespmem:s18+$0x12480]  }
0x15b: {  	[tilespmem:s18+$0x1A420] =	vst v1;
	v1 =	vmul.f32 $8.000000000e+00, v6;
	v6 =	vld [tilespmem:s18+$0x12490]  }
0x15c: {  	[tilespmem:s18+$0x1A430] =	vst v0;
	v0 =	vmul.f32 $8.000000000e+00, v5;
	v5 =	vld [tilespmem:s18+$0x124A0]  }
0x15d: {  	[tilespmem:s18+$0x1A440] =	vst v1;
	v1 =	vmul.f32 $8.000000000e+00, v3;
	v3 =	vld [tilespmem:s18+$0x124B0]  }
0x15e: {  	[tilespmem:s18+$0x1A450] =	vst v0;
	v0 =	vmul.f32 $8.000000000e+00, v2;
	v2 =	vld [tilespmem:s18+$0x124C0]  }
0x15f: {  	[tilespmem:s18+$0x1A460] =	vst v1;
	v1 =	vmul.f32 $8.000000000e+00, v4;
	v4 =	vld [tilespmem:s18+$0x124D0]  }
0x160: {  	[tilespmem:s18+$0x1A470] =	vst v0;
	v0 =	vmul.f32 $8.000000000e+00, v6;
	v6 =	vld [tilespmem:s18+$0x124E0]  }
0x161: {  	[tilespmem:s18+$0x1A480] =	vst v1;
	v1 =	vmul.f32 $8.000000000e+00, v5;
	v5 =	vld [tilespmem:s18+$0x124F0]  }
0x162: {  	[tilespmem:s18+$0x1A490] =	vst v0;
	v0 =	vmul.f32 $8.000000000e+00, v3;
	v3 =	vld [tilespmem:s18+$0x12500]  }
0x163: {  	[tilespmem:s18+$0x1A4A0] =	vst v1;
	v1 =	vmul.f32 $8.000000000e+00, v2;
	v2 =	vld [tilespmem:s18+$0x12510]  }
0x164: {  	[tilespmem:s18+$0x1A4B0] =	vst v0;
	v0 =	vmul.f32 $8.000000000e+00, v4;
	v4 =	vld [tilespmem:s18+$0x12520]  }
0x165: {  	[tilespmem:s18+$0x1A4C0] =	vst v1;
	v1 =	vmul.f32 $8.000000000e+00, v6;
	v6 =	vld [tilespmem:s18+$0x12530]  }
0x166: {  	[tilespmem:s18+$0x1A4D0] =	vst v0;
	v0 =	vmul.f32 $8.000000000e+00, v5;
	v5 =	vld [tilespmem:s18+$0x12540]  }
0x167: {  	[tilespmem:s18+$0x1A4E0] =	vst v1;
	v1 =	vmul.f32 $8.000000000e+00, v3;
	v7 =	vld [tilespmem:s18+$0x12550]  }
0x168: {  	[tilespmem:s18+$0x1A4F0] =	vst v0;
	v0 =	vmul.f32 $8.000000000e+00, v2;
	v2 =	vld [tilespmem:s18+$0x12560]  }
0x169: {  	[tilespmem:s18+$0x1A500] =	vst v1;
	v1 =	vmul.f32 $8.000000000e+00, v4;
	v4 =	vld [tilespmem:s18+$0x12570]  }
0x16a: {  	[tilespmem:s18+$0x1A510] =	vst v0;
	v0 =	vmul.f32 $8.000000000e+00, v6;
	v8 =	vld [tilespmem:s18+$0x12580]  }
.Ltmp5:
0x16b: {  	[tilespmem:s18+$0x1A520] =	vst v1;
	v1 =	vmul.f32 $8.000000000e+00, v5;
	v3 =	vld [tilespmem:s18+$0x12590];
	(pc) =	sbr.rel @p1 .LBB2_9-.Ltmp5, $4  }
0x16c: {  	[tilespmem:s18+$0x1A530] =	vst v0;
	v5 =	vmul.f32 $8.000000000e+00, v7;
	v0 =	vld [tilespmem:s18+$0x125A0]  }
0x16d: {  	[tilespmem:s18+$0x1A540] =	vst v1;
	v7 =	vmul.f32 $8.000000000e+00, v2;
	v1 =	vld [tilespmem:s18+$0x125B0]  }
0x16e: {  	[tilespmem:s18+$0x1A550] =	vst v5;
	v6 =	vmul.f32 $8.000000000e+00, v4;
	v2 =	vld [tilespmem:s18+$0x125C0]  }
0x16f: {  	s20 =	sadd.s32 $0x800, s20;
	[tilespmem:s18+$0x1A560] =	vst v7;
	v5 =	vmul.f32 $8.000000000e+00, v8;
	v4 =	vld [tilespmem:s18+$0x125D0]  }
0x170: {  	[tilespmem:s18+$0x1A570] =	vst v6;
	v3 =	vmul.f32 $8.000000000e+00, v3;
	v60 =	vld [tilespmem:s18+$0x125E0]  }
0x171: {  	[tilespmem:s18+$0x1A580] =	vst v5;
	v0 =	vmul.f32 $8.000000000e+00, v0  }
0x172: {  	[tilespmem:s18+$0x1A590] =	vst v3;
	v1 =	vmul.f32 $8.000000000e+00, v1  }
0x173: {  	[tilespmem:s18+$0x1A5A0] =	vst v0;
	v61 =	vmul.f32 $8.000000000e+00, v2  }
.Ltmp6:
0x174: {  	s19 =	sadd.s32 s17, s9;
	[tilespmem:s18+$0x1A5B0] =	vst v1;
	v62 =	vmul.f32 $8.000000000e+00, v4;
	(pc) =	sbr.rel @p0 .LBB2_12-.Ltmp6, $4  }
0x175: {  	s19 =	sshll.u32 s19, $0x3;
	[tilespmem:s18+$0x1A5C0] =	vst v61;
	v63 =	vmul.f32 $8.000000000e+00, v60  }
0x176: {  	s19 =	sand.u32 $0x1FFFF800, s19;
	[tilespmem:s18+$0x1A5D0] =	vst v62  }
0x177: {  	s21 =	sadd.s32 s2, s19;
	[tilespmem:s18+$0x1A5E0] =	vst v63  }
0x178: {  	[hbm4b:s21+s3] =	stream.linear.scatter [tilespmem:s31], [sflag:$0x6], $0x4000, $0x38;
	[tilespmem:$0x1E400] =	vst v63  }
.Ltmp7:
0x179: {  	(pc) =	sbr.rel .LBB2_2-.Ltmp7, $4  }
0x17a: {  	s18 =	sadd.s32 $0x700, s17  }
0x17b: {  	[tilespmem:s24], [sflag:$0x4] =	stream.indirect.gather [hbm4b:s4+s12], $0x40, s18, s12, $0xb8;
	[tilespmem:$0x1E400] =	vst v63  }
0x17c: {  	s21 =	sadd.s32 $0x780, s17;
	s16 =	sadd.s32 $0x1, s16  }
0x17d: {  	[tilespmem:s26], [sflag:$0x4] =	stream.indirect.gather [hbm4b:s4+s12], $0x40, s21, s12, $0xb8;
	[tilespmem:$0x1E400] =	vst v63  }
.LBB2_13:
0x17e: {  	_ =	sfence.sel $0x180000  }
0x17f: {  	[bflag:$0x0] =	sbarrier.arrive $0xFFFF  }
0x180: {  	_ =	strace $0x90000047  }
0x181: {  	s0 =	stileid.u32;
	[bflag:$0x2] =	sbarrier.arrive $0xFFFF  }
0x182: {  	p0 =	sne.s32 s0, $0x0;
	s0 =	rddreg [dreg:$0x2]  }
0x183: {  	s0 =	sadd.s32 @!p0 $0x100000, s0  }
0x184: {  	[sflag:s0] =	ssyncadd.tile.s32 @!p0 $0x1;
	_ =	shalt  }
.Lfunc_end2:
_tile_overlayer_lowered:
.L_overlay_start_2:
0x185: {  	(tag) =	ssettag $0x2  }
0x186: {  	s0 =	rddreg [dreg:$0x0];
	s2 =	stileid.u32  }
0x187: {  	s1 =	rddreg [dreg:$0x1];
	p0 =	sne.s32 s2, $0x0  }
0x188: {  	s3 =	rddreg [dreg:$0x2];
	[bflag:$0x3] =	sbarrier.arrive $0xFFFF;
	s2 =	simm.s32 @!p0 $0x1C07  }
0x189: {  	[timem:s3], [sflag:s2] =	dma.local @!p0 [hbm:s0], s1  }
0x18a: {  	s0 =	simm.s32 @!p0 $0x7  }
0x18b: {  	_ =	swait.ge @!p0 [sflag:s0], s1  }
0x18c: {  	s1 =	ssub.s32 @!p0 $0x0, s1;
	[sflag:s0] =	ssyncset.done @!p0 $0x0  }
0x18d: {  	[sflag:s0] =	ssyncadd.s32 @!p0 s1  }
0x18e: {  	[bflag:$0x3] =	sbarrier.arrive $0xFFFF  }
0x18f: {  	_ =	shalt  }

// kernel: sparse-core-data-format-call.cloned.1.call-start
scs
called_computation_lowered:
.L_overlay_start_0:
0x0: {  	s2 =	sld [smem:$0x3FD9]  }
0x1: {  	s3 =	sld [smem:$0x3FFE];
	_ =	sdelay $0x1  }
0x2: {  	s1 =	srdreg.scid  }
0x3: {  	s0 =	sand.u32 $0x1, s1  }
0x4: {  	s18 =	sshll.u32 s0, $0xA;
	s2 =	sadd.s32 s3, s2  }
0x5: {  	s2 =	sadd.s32 s2, s18  }
0x6: {  	[smem:$0x3FC6] =	sst s2  }
0x7: {  	_ = 	snop  }
0x8: {  	s2 =	sld [smem:$0x3FD0];
	(tm) =	ssettm $0x1  }
0x9: {  	s19 =	sld [smem:$0x3FFB];
	_ =	sdelay $0x3  }
0xa: {  	_ =	strace s19  }
0xb: {  	s3 =	sld [smem:$0x3FFC];
	_ =	sdelay $0x3  }
0xc: {  	_ =	strace s3  }
0xd: {  	s3 =	sld [smem:$0x3FFD];
	_ =	sdelay $0x3  }
0xe: {  	_ =	strace s3  }
0xf: {  	_ =	strace $0x8FFFFFFF  }
0x10: {  	s20 =	sld [smem:$0x3FDB];
	_ =	sdelay $0x1  }
0x11: {  	s4 =	simm.s32 $_scs_section_size  }
0x12: {  	s5 =	simm.s32 $_size__tile_overlayer_lowered;
	s6 =	simm.s32 $_tile_overlayer_lowered  }
0x13: {  	s23 =	simm.s32 $0x1BFF;
	s22 =	sshll.u32 s6, $0x1;
	s3 =	sadd.s32 s4, s20  }
0x14: {  	s7 =	simm.s32 $0x0;
	s21 =	sshll.u32 s5, $0x1;
	s5 =	sadd.s32 s22, s3  }
0x15: {  	[timem:s7], [sflag:s23] =	dma.local [hbm:s5], s21  }
0x16: {  	_ =	swait.ge [sflag:s23], s21  }
0x17: {  	s4 =	ssub.s32 $0x0, s21;
	[sflag:s23] =	ssyncset.done $0x0  }
0x18: {  	[sflag:s23] =	ssyncadd.s32 s4;
	_ =	sdelay $0x1  }
0x19: {  	s24 =	simm.s32 $0x1B8B  }
0x1a: {  	_ =	swait.ge [sflag:s24], $0x1  }
0x1b: {  	[sflag:s24] =	ssyncset.done $0x0  }
0x1c: {  	s26 =	simm.s32 $0x1B8E;
	s25 =	sld [smem:$0x3FFE];
	[sflag:s24] =	ssyncadd.s32 $0xFFFFFFFF  }
0x1d: {  	s27 =	simm.s32 $execute0_lowered;
	[smem:$0x3FD2] =	sst s26  }
0x1e: {  	s5 =	sshll.u32 s27, $0x1;
	_ =	strace $0x80000049;
	[dreg:$0x1] =	wrdreg $0xFFFFFFFF  }
0x1f: {  	s28 =	simm.s32 $_size_execute0_lowered;
	s3 =	sadd.s32 s3, s5;
	[dreg:$0x0] =	wrdreg $0x0  }
0x20: {  	s5 =	sshll.u32 s28, $0x1;
	[dreg:$0x2] =	wrdreg s3  }
0x21: {  	[dreg:$0x3] =	wrdreg s5  }
0x22: {  	[dreg:$0x4] =	wrdreg $0xC0  }
0x23: {  	_ =	task [dreg:s7], $0x5FFFF  }
0x24: {  	[dreg:$0x1] =	wrdreg $0xFFFFFFFF  }
0x25: {  	[dreg:$0x0] =	wrdreg $0x60  }
0x26: {  	[dreg:$0x2] =	wrdreg s25  }
0x27: {  	[dreg:$0x3] =	wrdreg s2  }
0x28: {  	[dreg:$0x4] =	wrdreg $0x9  }
0x29: {  	_ =	task.clear_ibuf [dreg:s7], $0x5FFFF;
	_ =	strace $0x90000049  }
0x2a: {  	s29 =	simm.s32 $0x9;
	_ =	strace $0x8000004B  }
0x2b: {  	_ =	swait.ge [sflag:s29], $0x1  }
0x2c: {  	[sflag:s29] =	ssyncadd.s32 $0xFFFFFFFF  }
0x2d: {  	_ =	strace $0x9000004B  }
0x2e: {  	_ =	sfence  }
0x2f: {  	s30 =	sld [smem:$0x0];
	_ =	sdelay $0x2  }
0x30: {  	s31 =	sshll.u32 s1, $0xD;
	s1 =	sshrl.u32 s1, $0x2  }
0x31: {  	s3 =	sand.u32 $0x4000, s31;
	s1 =	sadd.s32 s1, s30  }
0x32: {  	s0 =	sor.u32 s3, s0;
	s1 =	sshll.u32 s1, $0x11  }
0x33: {  	s0 =	sor.u32 s1, s0  }
0x34: {  	s0 =	sadd.s32 $0x8F2B, s0  }
0x35: {  	[sflag:s0] =	ssyncadd.remote.s32 $0x1  }
0x36: {  	_ =	sfence.sel $0xFFFF  }
0x37: {  	[dreg:$0x0] =	wrdreg $0xFFFFFFFF;
	(pc) =	sbr.abs _section_cstart, $3  }
0x38: {  	[dreg:$0x1] =	wrdreg $0xFFFFFFFF  }
0x39: {  	_ =	task.clear_ibuf [dreg:s7], $0x2FFFF;
	_ =	strace $0x9FFFFFFF  }
0x3a: {  	(tm) =	ssettm $0x7FFFFFFF  }
0x3b: {  	_ =	shalt  }
tec
execute0_lowered:
.L_overlay_start_1:
0x0: {  	(tag) =	ssettag $0x1  }
0x1: {  	s0 =	srdreg.scid  }
0x2: {  	s1 =	sshll.u32 s0, $0x4  }
0x3: {  	s0 =	stileid.u32;
	s1 =	sand.u32 $0x10, s1  }
0x4: {  	s1 =	sor.u32 s0, s1  }
0x5: {  	s6 =	rddreg [dreg:$0x0];
	s4 =	simm.s32 $0x1;
	s2 =	sshll.u32 s1, $0x7  }
0x6: {  	s7 =	simm.s32 $0x2;
	s12 =	simm.s32 $0x0;
	s1 =	ssub.s32 $0x4000, s2  }
0x7: {  	s8 =	simm.s32 $0x20000;
	s13 =	simm.s32 $0x0;
	s3 =	sand.u32 $0xF80, s1  }
0x8: {  	s9 =	simm.s32 $0x0;
	s5 =	sshrl.u32 s1, $0xC;
	p0 =	sne.s32 s3, $0x0  }
.Ltmp0:
0x9: {  	s1 =	rddreg [dreg:$0x2];
	s4 =	simm.s32 @!p0 $0x0;
	(pc) =	sbr.rel .LBB1_1-.Ltmp0, $4  }
0xa: {  	s11 =	simm.s32 $0x0;
	s3 =	rddreg [dreg:$0x1];
	s5 =	sadd.s32 s4, s5  }
0xb: {  	_ =	strace $0x8000004A;
	s4 =	simm.s32 $0x1;
	s5 =	smul.u32 $0x32, s5  }
0xc: {  	s6 =	sadd.s32 $0xA00, s6;
	s10 =	smov.u32 s2;
	[sflag:s4] =	ssyncpa.u1 $0x0  }
0xd: {  	p0 =	por $0x0, $0x0;
	[sflag:s7] =	ssyncpa.u1 $0x0;
	s7 =	sor.u32 $0x1, s5  }
.LBB1_4:
0xe: {  	s16 =	sshll.u32 s13, $0x3;
	s17 =	sand.u32 $0x78, s13  }
0xf: {  	s30 =	sand.u32 $0x1F800, s13;
	s12 =	sshll.u32 s12, $0x11;
	s16 =	sand.u32 $0x3C00, s16  }
0x10: {  	[tilespmem:s15+$0x810 ss:$0x81] =	vst.msk $0xffff, v2;
	s31 =	sand.u32 $0x7, s13;
	s16 =	sor.u32 s17, s16;
	s17 =	sadd.s32 s3, s30  }
0x11: {  	[tilespmem:s15+$0x1020 ss:$0x81] =	vst.msk $0xffff, v0;
	s13 =	sshll.u32 s31, $0x12;
	s12 =	sadd.s32 s12, s17;
	s16 =	sshrl.u32 s16, $0x3  }
0x12: {  	[tilespmem:s15+$0x0 ss:$0x81] =	vst.msk $0xffff, v1;
	s13 =	sor.u32 $0x400, s13;
	s12 =	sadd.s32 s16, s12  }
0x13: {  	[hbm4b:s12+s13] =	stream.strided.scatter [tilespmem:s14], [sflag:$0x2], $0x2000, s8, s13, $0x20;
	[tilespmem:$0x8080] =	vst v63  }
.LBB1_5:
0x14: {  	s14 =	sadd.s32 $0x1, s9  }
0x15: {  	s12 =	sadd.s32 $0x1000, s10;
	s16 =	smov.u32 s10;
	p2 =	sgt.s32 s14, $0x31  }
0x16: {  	s16 =	smov.u32 @p2 s12  }
0x17: {  	s14 =	simm.s32 @p2 $0x0;
	p2 =	sgt.s32 s16, $0x3FFF  }
0x18: {  	s16 =	smov.u32 @p2 s2;
	p2 =	sne.s32 s11, s7  }
.Ltmp1:
0x19: {  	p1 =	slt.u32 s11, $0x2;
	(pc) =	sbr.rel @!p2 .LBB1_6-.Ltmp1, $4  }
0x1a: {  	s15 =	simm.s32 @!p1 $0x2  }
0x1b: {  	s13 =	smov.u32 s10;
	p0 =	por !p0, !p0;
	_ =	swait.ge @!p1 [sflag:s15], $0x2000  }
0x1c: {  	s12 =	smov.u32 s9;
	[sflag:s15] =	ssyncset.done @!p1 $0x0;
	s9 =	smov.u32 s14  }
0x1d: {  	s11 =	sadd.s32 $0x1, s11;
	[sflag:s15] =	ssyncadd.s32 @!p1 $0xFFFFE000;
	s10 =	smov.u32 s16  }
.LBB1_1:
0x1e: {  	p1 =	sge.u32 s11, s5  }
0x1f: {  	s14 =	sand.u32 @!p1 $0x1FFFFFF, s9  }
0x20: {  	s15 =	smulhi.u32 @!p1 $0x4924925, s14;
	_ =	sdelay $0x1  }
0x21: {  	s15 =	smul.u32 @!p1 $0x38, s15  }
0x22: {  	s16 =	sxor.u32 @!p1 $0xFFFFFFFF, s11;
	s17 =	smul.u32 @!p1 $0x380, s10  }
0x23: {  	s31 =	sadd.s32 $0xFFFFFFFF, s11;
	s16 =	sshll.u32 @!p1 s16, $0xD;
	s14 =	ssub.s32 @!p1 s14, s15  }
0x24: {  	s15 =	sand.u32 @!p1 $0x2000, s16;
	s16 =	sadd.s32 @!p1 s6, s17;
	s14 =	sshll.u32 @!p1 s14, $0x4  }
0x25: {  	s17 =	simm.s32 @!p1 $0x1C00;
	s14 =	sadd.s32 @!p1 s14, s16;
	s16 =	simm.s32 @!p1 $0x40  }
0x26: {  	[tilespmem:s15], [sflag:$0x1] =	stream.strided.gather @!p1 [hbm4b:s14+s16], $0x2000, s17, s16, $0x38;
	[tilespmem:$0x8080] =	vst v63  }
0x27: {  	p1 =	sge.u32 s31, s5  }
.Ltmp2:
0x28: {  	_ = 	snop;
	(pc) =	sbr.rel @p1 .LBB1_5-.Ltmp2, $1  }
0x29: {  	_ =	sdelay $0x3  }
0x2a: {  	s14 =	simm.s32 $0x1  }
0x2b: {  	_ =	swait.ge [sflag:s4], $0x2000;
	s14 =	simm.s32 @!p0 $0x0  }
0x2c: {  	[sflag:s4] =	ssyncset.done $0x0;
	s15 =	sshll.u32 s14, $0xD  }
0x2d: {  	[sflag:s4] =	ssyncadd.s32 $0xFFFFE000;
	s18 =	sor.u32 $0x20, s15  }
0x2e: {  	s14 =	smul.u32 $0x8100, s14;
	v3 =	vld [tilespmem:s18+$0x10]  }
0x2f: {  	s30 =	sand.u32 $0x1, s11;
	v2 =	vld [tilespmem:s18+$0xFFFFFFF0]  }
0x30: {  	s15 =	smul.u32 $0x8100, s30;
	s14 =	sshrl.u32 s14, $0x2;
	v0 =	vld [tilespmem:s18+$0x0]  }
0x31: {  	v1 =	vld [tilespmem:s18+$0xFFFFFFE0];
	s16 =	sor.u32 $0x4000, s14  }
0x32: {  	s31 =	sshrl.u32 s15, $0x2;
	s15 =	sadd.s32 $0x0, s16  }
0x33: {  	s17 =	simm.s32 $0x4;
	s18 =	sadd.s32 $0x40, s18;
	s14 =	sor.u32 $0x4000, s31;
	[tilespmem:s15+$0x1830 ss:$0x81] =	vst.msk $0xffff, v3  }
.LBB1_3:
0x34: {  	v3 =	vld [tilespmem:s18+$0x10];
	p1 =	sne.s32 s17, $0x1FC;
	[tilespmem:s15+$0x810 ss:$0x81] =	vst.msk $0xffff, v2;
	s19 =	smov.u32 s17;
	s17 =	sadd.s32 $0x4, s17  }
.Ltmp3:
0x35: {  	v2 =	vld [tilespmem:s18+$0xFFFFFFF0];
	[tilespmem:s15+$0x1020 ss:$0x81] =	vst.msk $0xffff, v0;
	(pc) =	sbr.rel @p1 .LBB1_3-.Ltmp3, $4  }
0x36: {  	v0 =	vld [tilespmem:s18+$0x0];
	[tilespmem:s15+$0x0 ss:$0x81] =	vst.msk $0xffff, v1  }
0x37: {  	s15 =	sshra.s32 s19, $0x2;
	v1 =	vld [tilespmem:s18+$0xFFFFFFE0]  }
0x38: {  	s15 =	sadd.s32 s15, s16  }
0x39: {  	s18 =	sadd.s32 $0x40, s18;
	[tilespmem:s15+$0x1830 ss:$0x81] =	vst.msk $0xffff, v3  }
.Ltmp4:
0x3a: {  	_ = 	snop;
	(pc) =	sbr.rel .LBB1_4-.Ltmp4, $1  }
0x3b: {  	_ =	sdelay $0x3  }
.LBB1_6:
0x3c: {  	_ =	sfence.sel $0x180000  }
0x3d: {  	s2 =	simm.s32 $0x1;
	[bflag:$0x0] =	sbarrier.arrive $0xFFFF  }
0x3e: {  	s31 =	simm.s32 $0x2;
	[sflag:s2] =	ssyncpa.u1 $0x1  }
0x3f: {  	[sflag:s31] =	ssyncpa.u1 $0x1  }
0x40: {  	p0 =	sne.s32 s0, $0x0;
	_ =	strace $0x9000004A  }
0x41: {  	s0 =	sadd.s32 @!p0 $0x100000, s1;
	[bflag:$0x2] =	sbarrier.arrive $0xFFFF  }
0x42: {  	[sflag:s0] =	ssyncadd.tile.s32 @!p0 $0x1;
	_ =	shalt  }
.Lfunc_end1:
_tile_overlayer_lowered:
.L_overlay_start_2:
0x43: {  	(tag) =	ssettag $0x2  }
0x44: {  	s0 =	rddreg [dreg:$0x0];
	s2 =	stileid.u32  }
0x45: {  	s1 =	rddreg [dreg:$0x1];
	p0 =	sne.s32 s2, $0x0  }
0x46: {  	s3 =	rddreg [dreg:$0x2];
	[bflag:$0x3] =	sbarrier.arrive $0xFFFF;
	s2 =	simm.s32 @!p0 $0x1C01  }
0x47: {  	[timem:s3], [sflag:s2] =	dma.local @!p0 [hbm:s0], s1  }
0x48: {  	s0 =	simm.s32 @!p0 $0x1  }
0x49: {  	_ =	swait.ge @!p0 [sflag:s0], s1  }
0x4a: {  	s1 =	ssub.s32 @!p0 $0x0, s1;
	[sflag:s0] =	ssyncset.done @!p0 $0x0  }
0x4b: {  	[sflag:s0] =	ssyncadd.s32 @!p0 s1  }
0x4c: {  	[bflag:$0x3] =	sbarrier.arrive $0xFFFF  }
0x4d: {  	_ =	shalt  }

</sc_bundles>
